<compile_context>
chip_gen: v7x
topology: tpu7x:2x2x1
jax: 0.10.2.dev20260603
libtpu: 0.0.44.dev20260713+nightly
codegen_flags: <defaults>
</compile_context>

<pallas_src>
import functools

import jax
import jax.numpy as jnp
from jax import lax
from jax.experimental import pallas as pl
from jax.experimental.pallas import tpu as pltpu
from jax.experimental.pallas import tpu_sc as plsc

B_TOK = 4096
T_TOK = 200
EMB = 64
PEMB = 128
NW = 32
B = B_TOK * T_TOK
B_PER_W = B // NW
CH = 128
NCH = B_PER_W // CH

_NC = 2
NBUF = 5
_MESH = plsc.VectorSubcoreMesh(core_axis_name="c", subcore_axis_name="s")

VOCAB = 1000000


@functools.partial(
    pl.kernel,
    mesh=_MESH,
    out_type=jax.ShapeDtypeStruct((B, PEMB), jnp.float32),
    scratch_types=[
        pltpu.VMEM((NCH, CH), jnp.int32),
        pltpu.VMEM((NBUF, CH, PEMB), jnp.float32),
        [pltpu.SemaphoreType.DMA] * NBUF,
        [pltpu.SemaphoreType.DMA] * NBUF,
    ],
    compiler_params=pltpu.CompilerParams(use_tc_tiling_on_sc=True),
)
def _gather_kernel(tok_hbm, table_hbm, out_hbm, idx_v, rows_v, gsems, wsems):
    wid = lax.axis_index("s") * _NC + lax.axis_index("c")
    base = wid * B_PER_W
    pltpu.sync_copy(tok_hbm.at[wid], idx_v)

    def gather(j, b):
        pltpu.async_copy(table_hbm.at[idx_v.at[j]], rows_v.at[b], gsems[b])

    def write(j, b):
        pltpu.async_copy(rows_v.at[b], out_hbm.at[pl.ds(base + j * CH, CH)],
                         wsems[b])

    def wait_gather(j, b):
        pltpu.make_async_copy(table_hbm.at[idx_v.at[b]], rows_v.at[b],
                              gsems[b]).wait()

    def wait_write(j, b):
        pltpu.make_async_copy(rows_v.at[b],
                              out_hbm.at[pl.ds(base + j * CH, CH)],
                              wsems[b]).wait()

    for b in range(NBUF):
        gather(b, b)

    def group(g, carry):
        for b in range(NBUF):
            j = g * NBUF + b
            wait_gather(j, b)
            write(j, b)
        for b in range(NBUF):
            j = g * NBUF + b
            wait_write(j, b)
            gather(j + NBUF, b)
        return carry

    lax.fori_loop(0, NCH // NBUF - 1, group, 0)

    for b in range(NBUF):
        j = NCH - NBUF + b
        wait_gather(j, b)
        write(j, b)
    for b in range(NBUF):
        j = NCH - NBUF + b
        wait_write(j, b)


def kernel(tokens, table):
    tok = tokens.reshape(NW, NCH, CH)
    tab = jnp.pad(table, ((0, 0), (0, PEMB - EMB)))
    out = _gather_kernel(tok, tab)
    return out[:, :EMB].reshape(B_TOK, T_TOK, EMB)

# --- scband reference (transcript-rebuilt; emitter-appended) ---
"""Pipeline reference for scband-normal-embedder-83726092468680 (READ-ONLY COPY).

The authoritative reference and input builder live on the scoring server;
editing this copy changes nothing except your own understanding.
"""

import jax, jax.numpy as jnp
import numpy as np

VOCAB = 1000000
EMSIZE = 64
PADDING_IDX = 0


def setup_inputs(seed: int = 0) -> dict:
    key = jax.random.key(seed)
    k_tok, k_tab = jax.random.split(key)
    tokens = jax.random.randint(k_tok, (4096, 200), 0, VOCAB, dtype=jnp.int32)
    table = jax.random.normal(k_tab, (VOCAB, EMSIZE), dtype=jnp.float32)
    # nn.Embedding with padding_idx initializes that row to zeros
    table = table.at[PADDING_IDX].set(0.0)
    return {"tokens": tokens, "table": table}


def reference(tokens, table):
    # NormalEmbedder.forward: self.embed(tokens) -> row gather from embedding table
    return jnp.take(table, tokens, axis=0)

if __name__ == "__main__":
    import jax
    _d = setup_inputs()
    print(jax.jit(kernel)(*tuple(_d.values())))

</pallas_src>

<mosaic_0001>
#map = affine_map<(d0, d1) -> (0, 0, 0)>
#map1 = affine_map<(d0, d1) -> (0, 0)>
module attributes {stable_mosaic.version = 14 : i64} {
  func.func @_gather_kernel(%arg0: i32, %arg1: i32, %arg2: memref<32x200x128xi32, #tpu.memory_space<hbm>>, %arg3: memref<1000000x128xf32, #tpu.memory_space<hbm>>, %arg4: memref<819200x128xf32, #tpu.memory_space<hbm>>, %arg5: memref<200x128xi32, #tpu.memory_space<vmem>>, %arg6: memref<5x128x128xf32, #tpu.memory_space<vmem>>, %arg7: memref<!tpu.dma_semaphore, #tpu.memory_space<semaphore_mem>>, %arg8: memref<!tpu.dma_semaphore, #tpu.memory_space<semaphore_mem>>, %arg9: memref<!tpu.dma_semaphore, #tpu.memory_space<semaphore_mem>>, %arg10: memref<!tpu.dma_semaphore, #tpu.memory_space<semaphore_mem>>, %arg11: memref<!tpu.dma_semaphore, #tpu.memory_space<semaphore_mem>>, %arg12: memref<!tpu.dma_semaphore, #tpu.memory_space<semaphore_mem>>, %arg13: memref<!tpu.dma_semaphore, #tpu.memory_space<semaphore_mem>>, %arg14: memref<!tpu.dma_semaphore, #tpu.memory_space<semaphore_mem>>, %arg15: memref<!tpu.dma_semaphore, #tpu.memory_space<semaphore_mem>>, %arg16: memref<!tpu.dma_semaphore, #tpu.memory_space<semaphore_mem>>) attributes {dimension_semantics = [#tpu.dimension_semantics<core_parallel>, #tpu.dimension_semantics<subcore_parallel>], iteration_bounds = array<i64: 2, 16>, scalar_prefetch = 0 : i64, scratch_operands = 12 : i64, tpu.core_type = #tpu.core_type<sc_vector_subcore>, window_params = [{transform_indices = #map}, {transform_indices = #map1}, {transform_indices = #map1}]} {
    %mul3A = arith.constant 2 : i32
    %mul3A_0 = arith.muli %arg1, %mul3A : i32
    %add3A = arith.addi %mul3A_0, %arg0 : i32
    %mul3A_1 = arith.constant 25600 : i32
    %mul3A_2 = arith.muli %add3A, %mul3A_1 : i32
    "tpu.region"() ({
      %run_scoped3A = tpu.sem_alloc : memref<!tpu.dma_semaphore, #tpu.memory_space<semaphore_mem>>
      %dma_start3A_276 = arith.constant 0 : i32
      %dma_start3A_277 = arith.constant 0 : i32
      %dma_start3A_278 = tpu.memref_slice %arg2[%add3A, %dma_start3A_276, %dma_start3A_277] : memref<32x200x128xi32, #tpu.memory_space<hbm>> -> memref<1x200x128xi32, #tpu.memory_space<hbm>>
      %dma_start3A_279 = tpu.memref_squeeze %dma_start3A_278 : memref<1x200x128xi32, #tpu.memory_space<hbm>> -> memref<200x128xi32, #tpu.memory_space<hbm>>
      %dma_start3A_280 = arith.constant 0 : i32
      %dma_start3A_281 = arith.constant 0 : i32
      %dma_start3A_282 = tpu.memref_slice %arg2[%add3A, %dma_start3A_280, %dma_start3A_281] : memref<32x200x128xi32, #tpu.memory_space<hbm>> -> memref<1x200x128xi32, #tpu.memory_space<hbm>>
      %dma_start3A_283 = tpu.memref_squeeze %dma_start3A_282 : memref<1x200x128xi32, #tpu.memory_space<hbm>> -> memref<200x128xi32, #tpu.memory_space<hbm>>
      tpu.enqueue_dma source(%dma_start3A_283 : memref<200x128xi32, #tpu.memory_space<hbm>>) target(%arg5 : memref<200x128xi32, #tpu.memory_space<vmem>>) target_semaphore(%run_scoped3A : memref<!tpu.dma_semaphore, #tpu.memory_space<semaphore_mem>>)
      %dma_wait3A_284 = arith.constant 0 : i32
      %dma_wait3A_285 = arith.constant 0 : i32
      %dma_wait3A_286 = tpu.memref_slice %arg2[%add3A, %dma_wait3A_284, %dma_wait3A_285] : memref<32x200x128xi32, #tpu.memory_space<hbm>> -> memref<1x200x128xi32, #tpu.memory_space<hbm>>
      %dma_wait3A_287 = tpu.memref_squeeze %dma_wait3A_286 : memref<1x200x128xi32, #tpu.memory_space<hbm>> -> memref<200x128xi32, #tpu.memory_space<hbm>>
      %dma_wait3A_288 = arith.constant 0 : i32
      %dma_wait3A_289 = arith.constant 0 : i32
      %dma_wait3A_290 = tpu.memref_slice %arg2[%add3A, %dma_wait3A_288, %dma_wait3A_289] : memref<32x200x128xi32, #tpu.memory_space<hbm>> -> memref<1x200x128xi32, #tpu.memory_space<hbm>>
      %dma_wait3A_291 = tpu.memref_squeeze %dma_wait3A_290 : memref<1x200x128xi32, #tpu.memory_space<hbm>> -> memref<200x128xi32, #tpu.memory_space<hbm>>
      tpu.wait_dma2 semaphore(%run_scoped3A : memref<!tpu.dma_semaphore, #tpu.memory_space<semaphore_mem>>) src(%dma_wait3A_291 : memref<200x128xi32, #tpu.memory_space<hbm>>) dst(%arg5 : memref<200x128xi32, #tpu.memory_space<vmem>>)
      tpu.yield
    }) : () -> ()
    %dma_start3A = arith.constant 0 : i32
    %dma_start3A_3 = arith.constant 0 : i32
    %dma_start3A_4 = arith.constant 0 : i32
    %dma_start3A_5 = arith.constant 0 : i32
    %dma_start3A_6 = tpu.memref_slice %arg6[%dma_start3A_3, %dma_start3A_4, %dma_start3A_5] : memref<5x128x128xf32, #tpu.memory_space<vmem>> -> memref<1x128x128xf32, #tpu.memory_space<vmem>>
    %dma_start3A_7 = tpu.memref_squeeze %dma_start3A_6 : memref<1x128x128xf32, #tpu.memory_space<vmem>> -> memref<128x128xf32, #tpu.memory_space<vmem>>
    %dma_start3A_8 = arith.constant 0 : i32
    %dma_start3A_9 = tpu.memref_slice %arg5[%dma_start3A, %dma_start3A_8] : memref<200x128xi32, #tpu.memory_space<vmem>> -> memref<1x128xi32, #tpu.memory_space<vmem>>
    %dma_start3A_10 = tpu.memref_squeeze %dma_start3A_9 : memref<1x128xi32, #tpu.memory_space<vmem>> -> memref<128xi32, #tpu.memory_space<vmem>>
    %dma_start3A_11 = arith.constant 0 : i32
    %dma_start3A_12 = arith.constant 0 : i32
    %dma_start3A_13 = tpu.memref_slice %arg3[%dma_start3A_11, %dma_start3A_12] : memref<1000000x128xf32, #tpu.memory_space<hbm>> -> memref<1000000x128xf32, #tpu.memory_space<hbm>>
    tpu.enqueue_indirect_dma source(%dma_start3A_13 : memref<1000000x128xf32, #tpu.memory_space<hbm>>) target(%dma_start3A_7 : memref<128x128xf32, #tpu.memory_space<vmem>>) offsets(%dma_start3A_10 : memref<128xi32, #tpu.memory_space<vmem>>) semaphore(%arg7 : memref<!tpu.dma_semaphore, #tpu.memory_space<semaphore_mem>>)
    %dma_start3A_14 = arith.constant 1 : i32
    %dma_start3A_15 = arith.constant 1 : i32
    %dma_start3A_16 = arith.constant 0 : i32
    %dma_start3A_17 = arith.constant 0 : i32
    %dma_start3A_18 = tpu.memref_slice %arg6[%dma_start3A_15, %dma_start3A_16, %dma_start3A_17] : memref<5x128x128xf32, #tpu.memory_space<vmem>> -> memref<1x128x128xf32, #tpu.memory_space<vmem>>
    %dma_start3A_19 = tpu.memref_squeeze %dma_start3A_18 : memref<1x128x128xf32, #tpu.memory_space<vmem>> -> memref<128x128xf32, #tpu.memory_space<vmem>>
    %dma_start3A_20 = arith.constant 0 : i32
    %dma_start3A_21 = tpu.memref_slice %arg5[%dma_start3A_14, %dma_start3A_20] : memref<200x128xi32, #tpu.memory_space<vmem>> -> memref<1x128xi32, #tpu.memory_space<vmem>>
    %dma_start3A_22 = tpu.memref_squeeze %dma_start3A_21 : memref<1x128xi32, #tpu.memory_space<vmem>> -> memref<128xi32, #tpu.memory_space<vmem>>
    %dma_start3A_23 = arith.constant 0 : i32
    %dma_start3A_24 = arith.constant 0 : i32
    %dma_start3A_25 = tpu.memref_slice %arg3[%dma_start3A_23, %dma_start3A_24] : memref<1000000x128xf32, #tpu.memory_space<hbm>> -> memref<1000000x128xf32, #tpu.memory_space<hbm>>
    tpu.enqueue_indirect_dma source(%dma_start3A_25 : memref<1000000x128xf32, #tpu.memory_space<hbm>>) target(%dma_start3A_19 : memref<128x128xf32, #tpu.memory_space<vmem>>) offsets(%dma_start3A_22 : memref<128xi32, #tpu.memory_space<vmem>>) semaphore(%arg8 : memref<!tpu.dma_semaphore, #tpu.memory_space<semaphore_mem>>)
    %dma_start3A_26 = arith.constant 2 : i32
    %dma_start3A_27 = arith.constant 2 : i32
    %dma_start3A_28 = arith.constant 0 : i32
    %dma_start3A_29 = arith.constant 0 : i32
    %dma_start3A_30 = tpu.memref_slice %arg6[%dma_start3A_27, %dma_start3A_28, %dma_start3A_29] : memref<5x128x128xf32, #tpu.memory_space<vmem>> -> memref<1x128x128xf32, #tpu.memory_space<vmem>>
    %dma_start3A_31 = tpu.memref_squeeze %dma_start3A_30 : memref<1x128x128xf32, #tpu.memory_space<vmem>> -> memref<128x128xf32, #tpu.memory_space<vmem>>
    %dma_start3A_32 = arith.constant 0 : i32
    %dma_start3A_33 = tpu.memref_slice %arg5[%dma_start3A_26, %dma_start3A_32] : memref<200x128xi32, #tpu.memory_space<vmem>> -> memref<1x128xi32, #tpu.memory_space<vmem>>
    %dma_start3A_34 = tpu.memref_squeeze %dma_start3A_33 : memref<1x128xi32, #tpu.memory_space<vmem>> -> memref<128xi32, #tpu.memory_space<vmem>>
    %dma_start3A_35 = arith.constant 0 : i32
    %dma_start3A_36 = arith.constant 0 : i32
    %dma_start3A_37 = tpu.memref_slice %arg3[%dma_start3A_35, %dma_start3A_36] : memref<1000000x128xf32, #tpu.memory_space<hbm>> -> memref<1000000x128xf32, #tpu.memory_space<hbm>>
    tpu.enqueue_indirect_dma source(%dma_start3A_37 : memref<1000000x128xf32, #tpu.memory_space<hbm>>) target(%dma_start3A_31 : memref<128x128xf32, #tpu.memory_space<vmem>>) offsets(%dma_start3A_34 : memref<128xi32, #tpu.memory_space<vmem>>) semaphore(%arg9 : memref<!tpu.dma_semaphore, #tpu.memory_space<semaphore_mem>>)
    %dma_start3A_38 = arith.constant 3 : i32
    %dma_start3A_39 = arith.constant 3 : i32
    %dma_start3A_40 = arith.constant 0 : i32
    %dma_start3A_41 = arith.constant 0 : i32
    %dma_start3A_42 = tpu.memref_slice %arg6[%dma_start3A_39, %dma_start3A_40, %dma_start3A_41] : memref<5x128x128xf32, #tpu.memory_space<vmem>> -> memref<1x128x128xf32, #tpu.memory_space<vmem>>
    %dma_start3A_43 = tpu.memref_squeeze %dma_start3A_42 : memref<1x128x128xf32, #tpu.memory_space<vmem>> -> memref<128x128xf32, #tpu.memory_space<vmem>>
    %dma_start3A_44 = arith.constant 0 : i32
    %dma_start3A_45 = tpu.memref_slice %arg5[%dma_start3A_38, %dma_start3A_44] : memref<200x128xi32, #tpu.memory_space<vmem>> -> memref<1x128xi32, #tpu.memory_space<vmem>>
    %dma_start3A_46 = tpu.memref_squeeze %dma_start3A_45 : memref<1x128xi32, #tpu.memory_space<vmem>> -> memref<128xi32, #tpu.memory_space<vmem>>
    %dma_start3A_47 = arith.constant 0 : i32
    %dma_start3A_48 = arith.constant 0 : i32
    %dma_start3A_49 = tpu.memref_slice %arg3[%dma_start3A_47, %dma_start3A_48] : memref<1000000x128xf32, #tpu.memory_space<hbm>> -> memref<1000000x128xf32, #tpu.memory_space<hbm>>
    tpu.enqueue_indirect_dma source(%dma_start3A_49 : memref<1000000x128xf32, #tpu.memory_space<hbm>>) target(%dma_start3A_43 : memref<128x128xf32, #tpu.memory_space<vmem>>) offsets(%dma_start3A_46 : memref<128xi32, #tpu.memory_space<vmem>>) semaphore(%arg10 : memref<!tpu.dma_semaphore, #tpu.memory_space<semaphore_mem>>)
    %dma_start3A_50 = arith.constant 4 : i32
    %dma_start3A_51 = arith.constant 4 : i32
    %dma_start3A_52 = arith.constant 0 : i32
    %dma_start3A_53 = arith.constant 0 : i32
    %dma_start3A_54 = tpu.memref_slice %arg6[%dma_start3A_51, %dma_start3A_52, %dma_start3A_53] : memref<5x128x128xf32, #tpu.memory_space<vmem>> -> memref<1x128x128xf32, #tpu.memory_space<vmem>>
    %dma_start3A_55 = tpu.memref_squeeze %dma_start3A_54 : memref<1x128x128xf32, #tpu.memory_space<vmem>> -> memref<128x128xf32, #tpu.memory_space<vmem>>
    %dma_start3A_56 = arith.constant 0 : i32
    %dma_start3A_57 = tpu.memref_slice %arg5[%dma_start3A_50, %dma_start3A_56] : memref<200x128xi32, #tpu.memory_space<vmem>> -> memref<1x128xi32, #tpu.memory_space<vmem>>
    %dma_start3A_58 = tpu.memref_squeeze %dma_start3A_57 : memref<1x128xi32, #tpu.memory_space<vmem>> -> memref<128xi32, #tpu.memory_space<vmem>>
    %dma_start3A_59 = arith.constant 0 : i32
    %dma_start3A_60 = arith.constant 0 : i32
    %dma_start3A_61 = tpu.memref_slice %arg3[%dma_start3A_59, %dma_start3A_60] : memref<1000000x128xf32, #tpu.memory_space<hbm>> -> memref<1000000x128xf32, #tpu.memory_space<hbm>>
    tpu.enqueue_indirect_dma source(%dma_start3A_61 : memref<1000000x128xf32, #tpu.memory_space<hbm>>) target(%dma_start3A_55 : memref<128x128xf32, #tpu.memory_space<vmem>>) offsets(%dma_start3A_58 : memref<128xi32, #tpu.memory_space<vmem>>) semaphore(%arg11 : memref<!tpu.dma_semaphore, #tpu.memory_space<semaphore_mem>>)
    %scan3A = arith.constant 0 : i32
    %scan3A_62 = arith.constant 0 : i32
    %scan3A_63 = arith.constant 39 : i32
    %scan3A_64 = arith.addi %scan3A_62, %scan3A_63 : i32
    %scan3A_65 = arith.constant 1 : i32
    scf.for %scan3A_276 = %scan3A_62 to %scan3A_64 step %scan3A_65  : i32 {
      %mul3A_277 = arith.constant 5 : i32
      %mul3A_278 = arith.muli %scan3A_276, %mul3A_277 : i32
      %add3A_279 = arith.constant 0 : i32
      %add3A_280 = arith.addi %mul3A_278, %add3A_279 : i32
      %dma_wait3A_281 = arith.constant 0 : i32
      %dma_wait3A_282 = arith.constant 0 : i32
      %dma_wait3A_283 = arith.constant 0 : i32
      %dma_wait3A_284 = arith.constant 0 : i32
      %dma_wait3A_285 = tpu.memref_slice %arg6[%dma_wait3A_282, %dma_wait3A_283, %dma_wait3A_284] : memref<5x128x128xf32, #tpu.memory_space<vmem>> -> memref<1x128x128xf32, #tpu.memory_space<vmem>>
      %dma_wait3A_286 = tpu.memref_squeeze %dma_wait3A_285 : memref<1x128x128xf32, #tpu.memory_space<vmem>> -> memref<128x128xf32, #tpu.memory_space<vmem>>
      %dma_wait3A_287 = arith.constant 0 : i32
      %dma_wait3A_288 = tpu.memref_slice %arg5[%dma_wait3A_281, %dma_wait3A_287] : memref<200x128xi32, #tpu.memory_space<vmem>> -> memref<1x128xi32, #tpu.memory_space<vmem>>
      %dma_wait3A_289 = tpu.memref_squeeze %dma_wait3A_288 : memref<1x128xi32, #tpu.memory_space<vmem>> -> memref<128xi32, #tpu.memory_space<vmem>>
      %dma_wait3A_290 = arith.constant 0 : i32
      %dma_wait3A_291 = arith.constant 0 : i32
      %dma_wait3A_292 = tpu.memref_slice %arg3[%dma_wait3A_290, %dma_wait3A_291] : memref<1000000x128xf32, #tpu.memory_space<hbm>> -> memref<1000000x128xf32, #tpu.memory_space<hbm>>
      tpu.wait_indirect_dma semaphore(%arg7 : memref<!tpu.dma_semaphore, #tpu.memory_space<semaphore_mem>>) src(%dma_wait3A_292 : memref<1000000x128xf32, #tpu.memory_space<hbm>>) dst(%dma_wait3A_286 : memref<128x128xf32, #tpu.memory_space<vmem>>)
      %mul3A_293 = arith.constant 128 : i32
      %mul3A_294 = arith.muli %add3A_280, %mul3A_293 : i32
      %add3A_295 = arith.addi %mul3A_2, %mul3A_294 : i32
      %dma_start3A_296 = arith.constant 0 : i32
      %dma_start3A_297 = arith.constant 0 : i32
      %dma_start3A_298 = arith.constant 0 : i32
      %dma_start3A_299 = tpu.memref_slice %arg6[%dma_start3A_296, %dma_start3A_297, %dma_start3A_298] : memref<5x128x128xf32, #tpu.memory_space<vmem>> -> memref<1x128x128xf32, #tpu.memory_space<vmem>>
      %dma_start3A_300 = tpu.memref_squeeze %dma_start3A_299 : memref<1x128x128xf32, #tpu.memory_space<vmem>> -> memref<128x128xf32, #tpu.memory_space<vmem>>
      %dma_start3A_301 = arith.constant 0 : i32
      %dma_start3A_302 = tpu.memref_slice %arg4[%add3A_295, %dma_start3A_301] : memref<819200x128xf32, #tpu.memory_space<hbm>> -> memref<128x128xf32, #tpu.memory_space<hbm>>
      %dma_start3A_303 = arith.constant 0 : i32
      %dma_start3A_304 = tpu.memref_slice %arg4[%add3A_295, %dma_start3A_303] : memref<819200x128xf32, #tpu.memory_space<hbm>> -> memref<128x128xf32, #tpu.memory_space<hbm>>
      %dma_start3A_305 = arith.constant 0 : i32
      %dma_start3A_306 = arith.constant 0 : i32
      %dma_start3A_307 = tpu.memref_slice %arg6[%dma_start3A_296, %dma_start3A_305, %dma_start3A_306] : memref<5x128x128xf32, #tpu.memory_space<vmem>> -> memref<1x128x128xf32, #tpu.memory_space<vmem>>
      %dma_start3A_308 = tpu.memref_squeeze %dma_start3A_307 : memref<1x128x128xf32, #tpu.memory_space<vmem>> -> memref<128x128xf32, #tpu.memory_space<vmem>>
      tpu.enqueue_dma source(%dma_start3A_308 : memref<128x128xf32, #tpu.memory_space<vmem>>) target(%dma_start3A_304 : memref<128x128xf32, #tpu.memory_space<hbm>>) target_semaphore(%arg12 : memref<!tpu.dma_semaphore, #tpu.memory_space<semaphore_mem>>)
      %mul3A_309 = arith.constant 5 : i32
      %mul3A_310 = arith.muli %scan3A_276, %mul3A_309 : i32
      %add3A_311 = arith.constant 1 : i32
      %add3A_312 = arith.addi %mul3A_310, %add3A_311 : i32
      %dma_wait3A_313 = arith.constant 1 : i32
      %dma_wait3A_314 = arith.constant 1 : i32
      %dma_wait3A_315 = arith.constant 0 : i32
      %dma_wait3A_316 = arith.constant 0 : i32
      %dma_wait3A_317 = tpu.memref_slice %arg6[%dma_wait3A_314, %dma_wait3A_315, %dma_wait3A_316] : memref<5x128x128xf32, #tpu.memory_space<vmem>> -> memref<1x128x128xf32, #tpu.memory_space<vmem>>
      %dma_wait3A_318 = tpu.memref_squeeze %dma_wait3A_317 : memref<1x128x128xf32, #tpu.memory_space<vmem>> -> memref<128x128xf32, #tpu.memory_space<vmem>>
      %dma_wait3A_319 = arith.constant 0 : i32
      %dma_wait3A_320 = tpu.memref_slice %arg5[%dma_wait3A_313, %dma_wait3A_319] : memref<200x128xi32, #tpu.memory_space<vmem>> -> memref<1x128xi32, #tpu.memory_space<vmem>>
      %dma_wait3A_321 = tpu.memref_squeeze %dma_wait3A_320 : memref<1x128xi32, #tpu.memory_space<vmem>> -> memref<128xi32, #tpu.memory_space<vmem>>
      %dma_wait3A_322 = arith.constant 0 : i32
      %dma_wait3A_323 = arith.constant 0 : i32
      %dma_wait3A_324 = tpu.memref_slice %arg3[%dma_wait3A_322, %dma_wait3A_323] : memref<1000000x128xf32, #tpu.memory_space<hbm>> -> memref<1000000x128xf32, #tpu.memory_space<hbm>>
      tpu.wait_indirect_dma semaphore(%arg8 : memref<!tpu.dma_semaphore, #tpu.memory_space<semaphore_mem>>) src(%dma_wait3A_324 : memref<1000000x128xf32, #tpu.memory_space<hbm>>) dst(%dma_wait3A_318 : memref<128x128xf32, #tpu.memory_space<vmem>>)
      %mul3A_325 = arith.constant 128 : i32
      %mul3A_326 = arith.muli %add3A_312, %mul3A_325 : i32
      %add3A_327 = arith.addi %mul3A_2, %mul3A_326 : i32
      %dma_start3A_328 = arith.constant 1 : i32
      %dma_start3A_329 = arith.constant 0 : i32
      %dma_start3A_330 = arith.constant 0 : i32
      %dma_start3A_331 = tpu.memref_slice %arg6[%dma_start3A_328, %dma_start3A_329, %dma_start3A_330] : memref<5x128x128xf32, #tpu.memory_space<vmem>> -> memref<1x128x128xf32, #tpu.memory_space<vmem>>
      %dma_start3A_332 = tpu.memref_squeeze %dma_start3A_331 : memref<1x128x128xf32, #tpu.memory_space<vmem>> -> memref<128x128xf32, #tpu.memory_space<vmem>>
      %dma_start3A_333 = arith.constant 0 : i32
      %dma_start3A_334 = tpu.memref_slice %arg4[%add3A_327, %dma_start3A_333] : memref<819200x128xf32, #tpu.memory_space<hbm>> -> memref<128x128xf32, #tpu.memory_space<hbm>>
      %dma_start3A_335 = arith.constant 0 : i32
      %dma_start3A_336 = tpu.memref_slice %arg4[%add3A_327, %dma_start3A_335] : memref<819200x128xf32, #tpu.memory_space<hbm>> -> memref<128x128xf32, #tpu.memory_space<hbm>>
      %dma_start3A_337 = arith.constant 0 : i32
      %dma_start3A_338 = arith.constant 0 : i32
      %dma_start3A_339 = tpu.memref_slice %arg6[%dma_start3A_328, %dma_start3A_337, %dma_start3A_338] : memref<5x128x128xf32, #tpu.memory_space<vmem>> -> memref<1x128x128xf32, #tpu.memory_space<vmem>>
      %dma_start3A_340 = tpu.memref_squeeze %dma_start3A_339 : memref<1x128x128xf32, #tpu.memory_space<vmem>> -> memref<128x128xf32, #tpu.memory_space<vmem>>
      tpu.enqueue_dma source(%dma_start3A_340 : memref<128x128xf32, #tpu.memory_space<vmem>>) target(%dma_start3A_336 : memref<128x128xf32, #tpu.memory_space<hbm>>) target_semaphore(%arg13 : memref<!tpu.dma_semaphore, #tpu.memory_space<semaphore_mem>>)
      %mul3A_341 = arith.constant 5 : i32
      %mul3A_342 = arith.muli %scan3A_276, %mul3A_341 : i32
      %add3A_343 = arith.constant 2 : i32
      %add3A_344 = arith.addi %mul3A_342, %add3A_343 : i32
      %dma_wait3A_345 = arith.constant 2 : i32
      %dma_wait3A_346 = arith.constant 2 : i32
      %dma_wait3A_347 = arith.constant 0 : i32
      %dma_wait3A_348 = arith.constant 0 : i32
      %dma_wait3A_349 = tpu.memref_slice %arg6[%dma_wait3A_346, %dma_wait3A_347, %dma_wait3A_348] : memref<5x128x128xf32, #tpu.memory_space<vmem>> -> memref<1x128x128xf32, #tpu.memory_space<vmem>>
      %dma_wait3A_350 = tpu.memref_squeeze %dma_wait3A_349 : memref<1x128x128xf32, #tpu.memory_space<vmem>> -> memref<128x128xf32, #tpu.memory_space<vmem>>
      %dma_wait3A_351 = arith.constant 0 : i32
      %dma_wait3A_352 = tpu.memref_slice %arg5[%dma_wait3A_345, %dma_wait3A_351] : memref<200x128xi32, #tpu.memory_space<vmem>> -> memref<1x128xi32, #tpu.memory_space<vmem>>
      %dma_wait3A_353 = tpu.memref_squeeze %dma_wait3A_352 : memref<1x128xi32, #tpu.memory_space<vmem>> -> memref<128xi32, #tpu.memory_space<vmem>>
      %dma_wait3A_354 = arith.constant 0 : i32
      %dma_wait3A_355 = arith.constant 0 : i32
      %dma_wait3A_356 = tpu.memref_slice %arg3[%dma_wait3A_354, %dma_wait3A_355] : memref<1000000x128xf32, #tpu.memory_space<hbm>> -> memref<1000000x128xf32, #tpu.memory_space<hbm>>
      tpu.wait_indirect_dma semaphore(%arg9 : memref<!tpu.dma_semaphore, #tpu.memory_space<semaphore_mem>>) src(%dma_wait3A_356 : memref<1000000x128xf32, #tpu.memory_space<hbm>>) dst(%dma_wait3A_350 : memref<128x128xf32, #tpu.memory_space<vmem>>)
      %mul3A_357 = arith.constant 128 : i32
      %mul3A_358 = arith.muli %add3A_344, %mul3A_357 : i32
      %add3A_359 = arith.addi %mul3A_2, %mul3A_358 : i32
      %dma_start3A_360 = arith.constant 2 : i32
      %dma_start3A_361 = arith.constant 0 : i32
      %dma_start3A_362 = arith.constant 0 : i32
      %dma_start3A_363 = tpu.memref_slice %arg6[%dma_start3A_360, %dma_start3A_361, %dma_start3A_362] : memref<5x128x128xf32, #tpu.memory_space<vmem>> -> memref<1x128x128xf32, #tpu.memory_space<vmem>>
      %dma_start3A_364 = tpu.memref_squeeze %dma_start3A_363 : memref<1x128x128xf32, #tpu.memory_space<vmem>> -> memref<128x128xf32, #tpu.memory_space<vmem>>
      %dma_start3A_365 = arith.constant 0 : i32
      %dma_start3A_366 = tpu.memref_slice %arg4[%add3A_359, %dma_start3A_365] : memref<819200x128xf32, #tpu.memory_space<hbm>> -> memref<128x128xf32, #tpu.memory_space<hbm>>
      %dma_start3A_367 = arith.constant 0 : i32
      %dma_start3A_368 = tpu.memref_slice %arg4[%add3A_359, %dma_start3A_367] : memref<819200x128xf32, #tpu.memory_space<hbm>> -> memref<128x128xf32, #tpu.memory_space<hbm>>
      %dma_start3A_369 = arith.constant 0 : i32
      %dma_start3A_370 = arith.constant 0 : i32
      %dma_start3A_371 = tpu.memref_slice %arg6[%dma_start3A_360, %dma_start3A_369, %dma_start3A_370] : memref<5x128x128xf32, #tpu.memory_space<vmem>> -> memref<1x128x128xf32, #tpu.memory_space<vmem>>
      %dma_start3A_372 = tpu.memref_squeeze %dma_start3A_371 : memref<1x128x128xf32, #tpu.memory_space<vmem>> -> memref<128x128xf32, #tpu.memory_space<vmem>>
      tpu.enqueue_dma source(%dma_start3A_372 : memref<128x128xf32, #tpu.memory_space<vmem>>) target(%dma_start3A_368 : memref<128x128xf32, #tpu.memory_space<hbm>>) target_semaphore(%arg14 : memref<!tpu.dma_semaphore, #tpu.memory_space<semaphore_mem>>)
      %mul3A_373 = arith.constant 5 : i32
      %mul3A_374 = arith.muli %scan3A_276, %mul3A_373 : i32
      %add3A_375 = arith.constant 3 : i32
      %add3A_376 = arith.addi %mul3A_374, %add3A_375 : i32
      %dma_wait3A_377 = arith.constant 3 : i32
      %dma_wait3A_378 = arith.constant 3 : i32
      %dma_wait3A_379 = arith.constant 0 : i32
      %dma_wait3A_380 = arith.constant 0 : i32
      %dma_wait3A_381 = tpu.memref_slice %arg6[%dma_wait3A_378, %dma_wait3A_379, %dma_wait3A_380] : memref<5x128x128xf32, #tpu.memory_space<vmem>> -> memref<1x128x128xf32, #tpu.memory_space<vmem>>
      %dma_wait3A_382 = tpu.memref_squeeze %dma_wait3A_381 : memref<1x128x128xf32, #tpu.memory_space<vmem>> -> memref<128x128xf32, #tpu.memory_space<vmem>>
      %dma_wait3A_383 = arith.constant 0 : i32
      %dma_wait3A_384 = tpu.memref_slice %arg5[%dma_wait3A_377, %dma_wait3A_383] : memref<200x128xi32, #tpu.memory_space<vmem>> -> memref<1x128xi32, #tpu.memory_space<vmem>>
      %dma_wait3A_385 = tpu.memref_squeeze %dma_wait3A_384 : memref<1x128xi32, #tpu.memory_space<vmem>> -> memref<128xi32, #tpu.memory_space<vmem>>
      %dma_wait3A_386 = arith.constant 0 : i32
      %dma_wait3A_387 = arith.constant 0 : i32
      %dma_wait3A_388 = tpu.memref_slice %arg3[%dma_wait3A_386, %dma_wait3A_387] : memref<1000000x128xf32, #tpu.memory_space<hbm>> -> memref<1000000x128xf32, #tpu.memory_space<hbm>>
      tpu.wait_indirect_dma semaphore(%arg10 : memref<!tpu.dma_semaphore, #tpu.memory_space<semaphore_mem>>) src(%dma_wait3A_388 : memref<1000000x128xf32, #tpu.memory_space<hbm>>) dst(%dma_wait3A_382 : memref<128x128xf32, #tpu.memory_space<vmem>>)
      %mul3A_389 = arith.constant 128 : i32
      %mul3A_390 = arith.muli %add3A_376, %mul3A_389 : i32
      %add3A_391 = arith.addi %mul3A_2, %mul3A_390 : i32
      %dma_start3A_392 = arith.constant 3 : i32
      %dma_start3A_393 = arith.constant 0 : i32
      %dma_start3A_394 = arith.constant 0 : i32
      %dma_start3A_395 = tpu.memref_slice %arg6[%dma_start3A_392, %dma_start3A_393, %dma_start3A_394] : memref<5x128x128xf32, #tpu.memory_space<vmem>> -> memref<1x128x128xf32, #tpu.memory_space<vmem>>
      %dma_start3A_396 = tpu.memref_squeeze %dma_start3A_395 : memref<1x128x128xf32, #tpu.memory_space<vmem>> -> memref<128x128xf32, #tpu.memory_space<vmem>>
      %dma_start3A_397 = arith.constant 0 : i32
      %dma_start3A_398 = tpu.memref_slice %arg4[%add3A_391, %dma_start3A_397] : memref<819200x128xf32, #tpu.memory_space<hbm>> -> memref<128x128xf32, #tpu.memory_space<hbm>>
      %dma_start3A_399 = arith.constant 0 : i32
      %dma_start3A_400 = tpu.memref_slice %arg4[%add3A_391, %dma_start3A_399] : memref<819200x128xf32, #tpu.memory_space<hbm>> -> memref<128x128xf32, #tpu.memory_space<hbm>>
      %dma_start3A_401 = arith.constant 0 : i32
      %dma_start3A_402 = arith.constant 0 : i32
      %dma_start3A_403 = tpu.memref_slice %arg6[%dma_start3A_392, %dma_start3A_401, %dma_start3A_402] : memref<5x128x128xf32, #tpu.memory_space<vmem>> -> memref<1x128x128xf32, #tpu.memory_space<vmem>>
      %dma_start3A_404 = tpu.memref_squeeze %dma_start3A_403 : memref<1x128x128xf32, #tpu.memory_space<vmem>> -> memref<128x128xf32, #tpu.memory_space<vmem>>
      tpu.enqueue_dma source(%dma_start3A_404 : memref<128x128xf32, #tpu.memory_space<vmem>>) target(%dma_start3A_400 : memref<128x128xf32, #tpu.memory_space<hbm>>) target_semaphore(%arg15 : memref<!tpu.dma_semaphore, #tpu.memory_space<semaphore_mem>>)
      %mul3A_405 = arith.constant 5 : i32
      %mul3A_406 = arith.muli %scan3A_276, %mul3A_405 : i32
      %add3A_407 = arith.constant 4 : i32
      %add3A_408 = arith.addi %mul3A_406, %add3A_407 : i32
      %dma_wait3A_409 = arith.constant 4 : i32
      %dma_wait3A_410 = arith.constant 4 : i32
      %dma_wait3A_411 = arith.constant 0 : i32
      %dma_wait3A_412 = arith.constant 0 : i32
      %dma_wait3A_413 = tpu.memref_slice %arg6[%dma_wait3A_410, %dma_wait3A_411, %dma_wait3A_412] : memref<5x128x128xf32, #tpu.memory_space<vmem>> -> memref<1x128x128xf32, #tpu.memory_space<vmem>>
      %dma_wait3A_414 = tpu.memref_squeeze %dma_wait3A_413 : memref<1x128x128xf32, #tpu.memory_space<vmem>> -> memref<128x128xf32, #tpu.memory_space<vmem>>
      %dma_wait3A_415 = arith.constant 0 : i32
      %dma_wait3A_416 = tpu.memref_slice %arg5[%dma_wait3A_409, %dma_wait3A_415] : memref<200x128xi32, #tpu.memory_space<vmem>> -> memref<1x128xi32, #tpu.memory_space<vmem>>
      %dma_wait3A_417 = tpu.memref_squeeze %dma_wait3A_416 : memref<1x128xi32, #tpu.memory_space<vmem>> -> memref<128xi32, #tpu.memory_space<vmem>>
      %dma_wait3A_418 = arith.constant 0 : i32
      %dma_wait3A_419 = arith.constant 0 : i32
      %dma_wait3A_420 = tpu.memref_slice %arg3[%dma_wait3A_418, %dma_wait3A_419] : memref<1000000x128xf32, #tpu.memory_space<hbm>> -> memref<1000000x128xf32, #tpu.memory_space<hbm>>
      tpu.wait_indirect_dma semaphore(%arg11 : memref<!tpu.dma_semaphore, #tpu.memory_space<semaphore_mem>>) src(%dma_wait3A_420 : memref<1000000x128xf32, #tpu.memory_space<hbm>>) dst(%dma_wait3A_414 : memref<128x128xf32, #tpu.memory_space<vmem>>)
      %mul3A_421 = arith.constant 128 : i32
      %mul3A_422 = arith.muli %add3A_408, %mul3A_421 : i32
      %add3A_423 = arith.addi %mul3A_2, %mul3A_422 : i32
      %dma_start3A_424 = arith.constant 4 : i32
      %dma_start3A_425 = arith.constant 0 : i32
      %dma_start3A_426 = arith.constant 0 : i32
      %dma_start3A_427 = tpu.memref_slice %arg6[%dma_start3A_424, %dma_start3A_425, %dma_start3A_426] : memref<5x128x128xf32, #tpu.memory_space<vmem>> -> memref<1x128x128xf32, #tpu.memory_space<vmem>>
      %dma_start3A_428 = tpu.memref_squeeze %dma_start3A_427 : memref<1x128x128xf32, #tpu.memory_space<vmem>> -> memref<128x128xf32, #tpu.memory_space<vmem>>
      %dma_start3A_429 = arith.constant 0 : i32
      %dma_start3A_430 = tpu.memref_slice %arg4[%add3A_423, %dma_start3A_429] : memref<819200x128xf32, #tpu.memory_space<hbm>> -> memref<128x128xf32, #tpu.memory_space<hbm>>
      %dma_start3A_431 = arith.constant 0 : i32
      %dma_start3A_432 = tpu.memref_slice %arg4[%add3A_423, %dma_start3A_431] : memref<819200x128xf32, #tpu.memory_space<hbm>> -> memref<128x128xf32, #tpu.memory_space<hbm>>
      %dma_start3A_433 = arith.constant 0 : i32
      %dma_start3A_434 = arith.constant 0 : i32
      %dma_start3A_435 = tpu.memref_slice %arg6[%dma_start3A_424, %dma_start3A_433, %dma_start3A_434] : memref<5x128x128xf32, #tpu.memory_space<vmem>> -> memref<1x128x128xf32, #tpu.memory_space<vmem>>
      %dma_start3A_436 = tpu.memref_squeeze %dma_start3A_435 : memref<1x128x128xf32, #tpu.memory_space<vmem>> -> memref<128x128xf32, #tpu.memory_space<vmem>>
      tpu.enqueue_dma source(%dma_start3A_436 : memref<128x128xf32, #tpu.memory_space<vmem>>) target(%dma_start3A_432 : memref<128x128xf32, #tpu.memory_space<hbm>>) target_semaphore(%arg16 : memref<!tpu.dma_semaphore, #tpu.memory_space<semaphore_mem>>)
      %mul3A_437 = arith.constant 5 : i32
      %mul3A_438 = arith.muli %scan3A_276, %mul3A_437 : i32
      %add3A_439 = arith.constant 0 : i32
      %add3A_440 = arith.addi %mul3A_438, %add3A_439 : i32
      %mul3A_441 = arith.constant 128 : i32
      %mul3A_442 = arith.muli %add3A_440, %mul3A_441 : i32
      %add3A_443 = arith.addi %mul3A_2, %mul3A_442 : i32
      %dma_wait3A_444 = arith.constant 0 : i32
      %dma_wait3A_445 = arith.constant 0 : i32
      %dma_wait3A_446 = arith.constant 0 : i32
      %dma_wait3A_447 = tpu.memref_slice %arg6[%dma_wait3A_444, %dma_wait3A_445, %dma_wait3A_446] : memref<5x128x128xf32, #tpu.memory_space<vmem>> -> memref<1x128x128xf32, #tpu.memory_space<vmem>>
      %dma_wait3A_448 = tpu.memref_squeeze %dma_wait3A_447 : memref<1x128x128xf32, #tpu.memory_space<vmem>> -> memref<128x128xf32, #tpu.memory_space<vmem>>
      %dma_wait3A_449 = arith.constant 0 : i32
      %dma_wait3A_450 = tpu.memref_slice %arg4[%add3A_443, %dma_wait3A_449] : memref<819200x128xf32, #tpu.memory_space<hbm>> -> memref<128x128xf32, #tpu.memory_space<hbm>>
      %dma_wait3A_451 = arith.constant 0 : i32
      %dma_wait3A_452 = tpu.memref_slice %arg4[%add3A_443, %dma_wait3A_451] : memref<819200x128xf32, #tpu.memory_space<hbm>> -> memref<128x128xf32, #tpu.memory_space<hbm>>
      %dma_wait3A_453 = arith.constant 0 : i32
      %dma_wait3A_454 = arith.constant 0 : i32
      %dma_wait3A_455 = tpu.memref_slice %arg6[%dma_wait3A_444, %dma_wait3A_453, %dma_wait3A_454] : memref<5x128x128xf32, #tpu.memory_space<vmem>> -> memref<1x128x128xf32, #tpu.memory_space<vmem>>
      %dma_wait3A_456 = tpu.memref_squeeze %dma_wait3A_455 : memref<1x128x128xf32, #tpu.memory_space<vmem>> -> memref<128x128xf32, #tpu.memory_space<vmem>>
      tpu.wait_dma2 semaphore(%arg12 : memref<!tpu.dma_semaphore, #tpu.memory_space<semaphore_mem>>) src(%dma_wait3A_456 : memref<128x128xf32, #tpu.memory_space<vmem>>) dst(%dma_wait3A_452 : memref<128x128xf32, #tpu.memory_space<hbm>>)
      %add3A_457 = arith.constant 5 : i32
      %add3A_458 = arith.addi %add3A_440, %add3A_457 : i32
      %dma_start3A_459 = arith.constant 0 : i32
      %dma_start3A_460 = arith.constant 0 : i32
      %dma_start3A_461 = arith.constant 0 : i32
      %dma_start3A_462 = tpu.memref_slice %arg6[%dma_start3A_459, %dma_start3A_460, %dma_start3A_461] : memref<5x128x128xf32, #tpu.memory_space<vmem>> -> memref<1x128x128xf32, #tpu.memory_space<vmem>>
      %dma_start3A_463 = tpu.memref_squeeze %dma_start3A_462 : memref<1x128x128xf32, #tpu.memory_space<vmem>> -> memref<128x128xf32, #tpu.memory_space<vmem>>
      %dma_start3A_464 = arith.constant 0 : i32
      %dma_start3A_465 = tpu.memref_slice %arg5[%add3A_458, %dma_start3A_464] : memref<200x128xi32, #tpu.memory_space<vmem>> -> memref<1x128xi32, #tpu.memory_space<vmem>>
      %dma_start3A_466 = tpu.memref_squeeze %dma_start3A_465 : memref<1x128xi32, #tpu.memory_space<vmem>> -> memref<128xi32, #tpu.memory_space<vmem>>
      %dma_start3A_467 = arith.constant 0 : i32
      %dma_start3A_468 = arith.constant 0 : i32
      %dma_start3A_469 = tpu.memref_slice %arg3[%dma_start3A_467, %dma_start3A_468] : memref<1000000x128xf32, #tpu.memory_space<hbm>> -> memref<1000000x128xf32, #tpu.memory_space<hbm>>
      tpu.enqueue_indirect_dma source(%dma_start3A_469 : memref<1000000x128xf32, #tpu.memory_space<hbm>>) target(%dma_start3A_463 : memref<128x128xf32, #tpu.memory_space<vmem>>) offsets(%dma_start3A_466 : memref<128xi32, #tpu.memory_space<vmem>>) semaphore(%arg7 : memref<!tpu.dma_semaphore, #tpu.memory_space<semaphore_mem>>)
      %mul3A_470 = arith.constant 5 : i32
      %mul3A_471 = arith.muli %scan3A_276, %mul3A_470 : i32
      %add3A_472 = arith.constant 1 : i32
      %add3A_473 = arith.addi %mul3A_471, %add3A_472 : i32
      %mul3A_474 = arith.constant 128 : i32
      %mul3A_475 = arith.muli %add3A_473, %mul3A_474 : i32
      %add3A_476 = arith.addi %mul3A_2, %mul3A_475 : i32
      %dma_wait3A_477 = arith.constant 1 : i32
      %dma_wait3A_478 = arith.constant 0 : i32
      %dma_wait3A_479 = arith.constant 0 : i32
      %dma_wait3A_480 = tpu.memref_slice %arg6[%dma_wait3A_477, %dma_wait3A_478, %dma_wait3A_479] : memref<5x128x128xf32, #tpu.memory_space<vmem>> -> memref<1x128x128xf32, #tpu.memory_space<vmem>>
      %dma_wait3A_481 = tpu.memref_squeeze %dma_wait3A_480 : memref<1x128x128xf32, #tpu.memory_space<vmem>> -> memref<128x128xf32, #tpu.memory_space<vmem>>
      %dma_wait3A_482 = arith.constant 0 : i32
      %dma_wait3A_483 = tpu.memref_slice %arg4[%add3A_476, %dma_wait3A_482] : memref<819200x128xf32, #tpu.memory_space<hbm>> -> memref<128x128xf32, #tpu.memory_space<hbm>>
      %dma_wait3A_484 = arith.constant 0 : i32
      %dma_wait3A_485 = tpu.memref_slice %arg4[%add3A_476, %dma_wait3A_484] : memref<819200x128xf32, #tpu.memory_space<hbm>> -> memref<128x128xf32, #tpu.memory_space<hbm>>
      %dma_wait3A_486 = arith.constant 0 : i32
      %dma_wait3A_487 = arith.constant 0 : i32
      %dma_wait3A_488 = tpu.memref_slice %arg6[%dma_wait3A_477, %dma_wait3A_486, %dma_wait3A_487] : memref<5x128x128xf32, #tpu.memory_space<vmem>> -> memref<1x128x128xf32, #tpu.memory_space<vmem>>
      %dma_wait3A_489 = tpu.memref_squeeze %dma_wait3A_488 : memref<1x128x128xf32, #tpu.memory_space<vmem>> -> memref<128x128xf32, #tpu.memory_space<vmem>>
      tpu.wait_dma2 semaphore(%arg13 : memref<!tpu.dma_semaphore, #tpu.memory_space<semaphore_mem>>) src(%dma_wait3A_489 : memref<128x128xf32, #tpu.memory_space<vmem>>) dst(%dma_wait3A_485 : memref<128x128xf32, #tpu.memory_space<hbm>>)
      %add3A_490 = arith.constant 5 : i32
      %add3A_491 = arith.addi %add3A_473, %add3A_490 : i32
      %dma_start3A_492 = arith.constant 1 : i32
      %dma_start3A_493 = arith.constant 0 : i32
      %dma_start3A_494 = arith.constant 0 : i32
      %dma_start3A_495 = tpu.memref_slice %arg6[%dma_start3A_492, %dma_start3A_493, %dma_start3A_494] : memref<5x128x128xf32, #tpu.memory_space<vmem>> -> memref<1x128x128xf32, #tpu.memory_space<vmem>>
      %dma_start3A_496 = tpu.memref_squeeze %dma_start3A_495 : memref<1x128x128xf32, #tpu.memory_space<vmem>> -> memref<128x128xf32, #tpu.memory_space<vmem>>
      %dma_start3A_497 = arith.constant 0 : i32
      %dma_start3A_498 = tpu.memref_slice %arg5[%add3A_491, %dma_start3A_497] : memref<200x128xi32, #tpu.memory_space<vmem>> -> memref<1x128xi32, #tpu.memory_space<vmem>>
      %dma_start3A_499 = tpu.memref_squeeze %dma_start3A_498 : memref<1x128xi32, #tpu.memory_space<vmem>> -> memref<128xi32, #tpu.memory_space<vmem>>
      %dma_start3A_500 = arith.constant 0 : i32
      %dma_start3A_501 = arith.constant 0 : i32
      %dma_start3A_502 = tpu.memref_slice %arg3[%dma_start3A_500, %dma_start3A_501] : memref<1000000x128xf32, #tpu.memory_space<hbm>> -> memref<1000000x128xf32, #tpu.memory_space<hbm>>
      tpu.enqueue_indirect_dma source(%dma_start3A_502 : memref<1000000x128xf32, #tpu.memory_space<hbm>>) target(%dma_start3A_496 : memref<128x128xf32, #tpu.memory_space<vmem>>) offsets(%dma_start3A_499 : memref<128xi32, #tpu.memory_space<vmem>>) semaphore(%arg8 : memref<!tpu.dma_semaphore, #tpu.memory_space<semaphore_mem>>)
      %mul3A_503 = arith.constant 5 : i32
      %mul3A_504 = arith.muli %scan3A_276, %mul3A_503 : i32
      %add3A_505 = arith.constant 2 : i32
      %add3A_506 = arith.addi %mul3A_504, %add3A_505 : i32
      %mul3A_507 = arith.constant 128 : i32
      %mul3A_508 = arith.muli %add3A_506, %mul3A_507 : i32
      %add3A_509 = arith.addi %mul3A_2, %mul3A_508 : i32
      %dma_wait3A_510 = arith.constant 2 : i32
      %dma_wait3A_511 = arith.constant 0 : i32
      %dma_wait3A_512 = arith.constant 0 : i32
      %dma_wait3A_513 = tpu.memref_slice %arg6[%dma_wait3A_510, %dma_wait3A_511, %dma_wait3A_512] : memref<5x128x128xf32, #tpu.memory_space<vmem>> -> memref<1x128x128xf32, #tpu.memory_space<vmem>>
      %dma_wait3A_514 = tpu.memref_squeeze %dma_wait3A_513 : memref<1x128x128xf32, #tpu.memory_space<vmem>> -> memref<128x128xf32, #tpu.memory_space<vmem>>
      %dma_wait3A_515 = arith.constant 0 : i32
      %dma_wait3A_516 = tpu.memref_slice %arg4[%add3A_509, %dma_wait3A_515] : memref<819200x128xf32, #tpu.memory_space<hbm>> -> memref<128x128xf32, #tpu.memory_space<hbm>>
      %dma_wait3A_517 = arith.constant 0 : i32
      %dma_wait3A_518 = tpu.memref_slice %arg4[%add3A_509, %dma_wait3A_517] : memref<819200x128xf32, #tpu.memory_space<hbm>> -> memref<128x128xf32, #tpu.memory_space<hbm>>
      %dma_wait3A_519 = arith.constant 0 : i32
      %dma_wait3A_520 = arith.constant 0 : i32
      %dma_wait3A_521 = tpu.memref_slice %arg6[%dma_wait3A_510, %dma_wait3A_519, %dma_wait3A_520] : memref<5x128x128xf32, #tpu.memory_space<vmem>> -> memref<1x128x128xf32, #tpu.memory_space<vmem>>
      %dma_wait3A_522 = tpu.memref_squeeze %dma_wait3A_521 : memref<1x128x128xf32, #tpu.memory_space<vmem>> -> memref<128x128xf32, #tpu.memory_space<vmem>>
      tpu.wait_dma2 semaphore(%arg14 : memref<!tpu.dma_semaphore, #tpu.memory_space<semaphore_mem>>) src(%dma_wait3A_522 : memref<128x128xf32, #tpu.memory_space<vmem>>) dst(%dma_wait3A_518 : memref<128x128xf32, #tpu.memory_space<hbm>>)
      %add3A_523 = arith.constant 5 : i32
      %add3A_524 = arith.addi %add3A_506, %add3A_523 : i32
      %dma_start3A_525 = arith.constant 2 : i32
      %dma_start3A_526 = arith.constant 0 : i32
      %dma_start3A_527 = arith.constant 0 : i32
      %dma_start3A_528 = tpu.memref_slice %arg6[%dma_start3A_525, %dma_start3A_526, %dma_start3A_527] : memref<5x128x128xf32, #tpu.memory_space<vmem>> -> memref<1x128x128xf32, #tpu.memory_space<vmem>>
      %dma_start3A_529 = tpu.memref_squeeze %dma_start3A_528 : memref<1x128x128xf32, #tpu.memory_space<vmem>> -> memref<128x128xf32, #tpu.memory_space<vmem>>
      %dma_start3A_530 = arith.constant 0 : i32
      %dma_start3A_531 = tpu.memref_slice %arg5[%add3A_524, %dma_start3A_530] : memref<200x128xi32, #tpu.memory_space<vmem>> -> memref<1x128xi32, #tpu.memory_space<vmem>>
      %dma_start3A_532 = tpu.memref_squeeze %dma_start3A_531 : memref<1x128xi32, #tpu.memory_space<vmem>> -> memref<128xi32, #tpu.memory_space<vmem>>
      %dma_start3A_533 = arith.constant 0 : i32
      %dma_start3A_534 = arith.constant 0 : i32
      %dma_start3A_535 = tpu.memref_slice %arg3[%dma_start3A_533, %dma_start3A_534] : memref<1000000x128xf32, #tpu.memory_space<hbm>> -> memref<1000000x128xf32, #tpu.memory_space<hbm>>
      tpu.enqueue_indirect_dma source(%dma_start3A_535 : memref<1000000x128xf32, #tpu.memory_space<hbm>>) target(%dma_start3A_529 : memref<128x128xf32, #tpu.memory_space<vmem>>) offsets(%dma_start3A_532 : memref<128xi32, #tpu.memory_space<vmem>>) semaphore(%arg9 : memref<!tpu.dma_semaphore, #tpu.memory_space<semaphore_mem>>)
      %mul3A_536 = arith.constant 5 : i32
      %mul3A_537 = arith.muli %scan3A_276, %mul3A_536 : i32
      %add3A_538 = arith.constant 3 : i32
      %add3A_539 = arith.addi %mul3A_537, %add3A_538 : i32
      %mul3A_540 = arith.constant 128 : i32
      %mul3A_541 = arith.muli %add3A_539, %mul3A_540 : i32
      %add3A_542 = arith.addi %mul3A_2, %mul3A_541 : i32
      %dma_wait3A_543 = arith.constant 3 : i32
      %dma_wait3A_544 = arith.constant 0 : i32
      %dma_wait3A_545 = arith.constant 0 : i32
      %dma_wait3A_546 = tpu.memref_slice %arg6[%dma_wait3A_543, %dma_wait3A_544, %dma_wait3A_545] : memref<5x128x128xf32, #tpu.memory_space<vmem>> -> memref<1x128x128xf32, #tpu.memory_space<vmem>>
      %dma_wait3A_547 = tpu.memref_squeeze %dma_wait3A_546 : memref<1x128x128xf32, #tpu.memory_space<vmem>> -> memref<128x128xf32, #tpu.memory_space<vmem>>
      %dma_wait3A_548 = arith.constant 0 : i32
      %dma_wait3A_549 = tpu.memref_slice %arg4[%add3A_542, %dma_wait3A_548] : memref<819200x128xf32, #tpu.memory_space<hbm>> -> memref<128x128xf32, #tpu.memory_space<hbm>>
      %dma_wait3A_550 = arith.constant 0 : i32
      %dma_wait3A_551 = tpu.memref_slice %arg4[%add3A_542, %dma_wait3A_550] : memref<819200x128xf32, #tpu.memory_space<hbm>> -> memref<128x128xf32, #tpu.memory_space<hbm>>
      %dma_wait3A_552 = arith.constant 0 : i32
      %dma_wait3A_553 = arith.constant 0 : i32
      %dma_wait3A_554 = tpu.memref_slice %arg6[%dma_wait3A_543, %dma_wait3A_552, %dma_wait3A_553] : memref<5x128x128xf32, #tpu.memory_space<vmem>> -> memref<1x128x128xf32, #tpu.memory_space<vmem>>
      %dma_wait3A_555 = tpu.memref_squeeze %dma_wait3A_554 : memref<1x128x128xf32, #tpu.memory_space<vmem>> -> memref<128x128xf32, #tpu.memory_space<vmem>>
      tpu.wait_dma2 semaphore(%arg15 : memref<!tpu.dma_semaphore, #tpu.memory_space<semaphore_mem>>) src(%dma_wait3A_555 : memref<128x128xf32, #tpu.memory_space<vmem>>) dst(%dma_wait3A_551 : memref<128x128xf32, #tpu.memory_space<hbm>>)
      %add3A_556 = arith.constant 5 : i32
      %add3A_557 = arith.addi %add3A_539, %add3A_556 : i32
      %dma_start3A_558 = arith.constant 3 : i32
      %dma_start3A_559 = arith.constant 0 : i32
      %dma_start3A_560 = arith.constant 0 : i32
      %dma_start3A_561 = tpu.memref_slice %arg6[%dma_start3A_558, %dma_start3A_559, %dma_start3A_560] : memref<5x128x128xf32, #tpu.memory_space<vmem>> -> memref<1x128x128xf32, #tpu.memory_space<vmem>>
      %dma_start3A_562 = tpu.memref_squeeze %dma_start3A_561 : memref<1x128x128xf32, #tpu.memory_space<vmem>> -> memref<128x128xf32, #tpu.memory_space<vmem>>
      %dma_start3A_563 = arith.constant 0 : i32
      %dma_start3A_564 = tpu.memref_slice %arg5[%add3A_557, %dma_start3A_563] : memref<200x128xi32, #tpu.memory_space<vmem>> -> memref<1x128xi32, #tpu.memory_space<vmem>>
      %dma_start3A_565 = tpu.memref_squeeze %dma_start3A_564 : memref<1x128xi32, #tpu.memory_space<vmem>> -> memref<128xi32, #tpu.memory_space<vmem>>
      %dma_start3A_566 = arith.constant 0 : i32
      %dma_start3A_567 = arith.constant 0 : i32
      %dma_start3A_568 = tpu.memref_slice %arg3[%dma_start3A_566, %dma_start3A_567] : memref<1000000x128xf32, #tpu.memory_space<hbm>> -> memref<1000000x128xf32, #tpu.memory_space<hbm>>
      tpu.enqueue_indirect_dma source(%dma_start3A_568 : memref<1000000x128xf32, #tpu.memory_space<hbm>>) target(%dma_start3A_562 : memref<128x128xf32, #tpu.memory_space<vmem>>) offsets(%dma_start3A_565 : memref<128xi32, #tpu.memory_space<vmem>>) semaphore(%arg10 : memref<!tpu.dma_semaphore, #tpu.memory_space<semaphore_mem>>)
      %mul3A_569 = arith.constant 5 : i32
      %mul3A_570 = arith.muli %scan3A_276, %mul3A_569 : i32
      %add3A_571 = arith.constant 4 : i32
      %add3A_572 = arith.addi %mul3A_570, %add3A_571 : i32
      %mul3A_573 = arith.constant 128 : i32
      %mul3A_574 = arith.muli %add3A_572, %mul3A_573 : i32
      %add3A_575 = arith.addi %mul3A_2, %mul3A_574 : i32
      %dma_wait3A_576 = arith.constant 4 : i32
      %dma_wait3A_577 = arith.constant 0 : i32
      %dma_wait3A_578 = arith.constant 0 : i32
      %dma_wait3A_579 = tpu.memref_slice %arg6[%dma_wait3A_576, %dma_wait3A_577, %dma_wait3A_578] : memref<5x128x128xf32, #tpu.memory_space<vmem>> -> memref<1x128x128xf32, #tpu.memory_space<vmem>>
      %dma_wait3A_580 = tpu.memref_squeeze %dma_wait3A_579 : memref<1x128x128xf32, #tpu.memory_space<vmem>> -> memref<128x128xf32, #tpu.memory_space<vmem>>
      %dma_wait3A_581 = arith.constant 0 : i32
      %dma_wait3A_582 = tpu.memref_slice %arg4[%add3A_575, %dma_wait3A_581] : memref<819200x128xf32, #tpu.memory_space<hbm>> -> memref<128x128xf32, #tpu.memory_space<hbm>>
      %dma_wait3A_583 = arith.constant 0 : i32
      %dma_wait3A_584 = tpu.memref_slice %arg4[%add3A_575, %dma_wait3A_583] : memref<819200x128xf32, #tpu.memory_space<hbm>> -> memref<128x128xf32, #tpu.memory_space<hbm>>
      %dma_wait3A_585 = arith.constant 0 : i32
      %dma_wait3A_586 = arith.constant 0 : i32
      %dma_wait3A_587 = tpu.memref_slice %arg6[%dma_wait3A_576, %dma_wait3A_585, %dma_wait3A_586] : memref<5x128x128xf32, #tpu.memory_space<vmem>> -> memref<1x128x128xf32, #tpu.memory_space<vmem>>
      %dma_wait3A_588 = tpu.memref_squeeze %dma_wait3A_587 : memref<1x128x128xf32, #tpu.memory_space<vmem>> -> memref<128x128xf32, #tpu.memory_space<vmem>>
      tpu.wait_dma2 semaphore(%arg16 : memref<!tpu.dma_semaphore, #tpu.memory_space<semaphore_mem>>) src(%dma_wait3A_588 : memref<128x128xf32, #tpu.memory_space<vmem>>) dst(%dma_wait3A_584 : memref<128x128xf32, #tpu.memory_space<hbm>>)
      %add3A_589 = arith.constant 5 : i32
      %add3A_590 = arith.addi %add3A_572, %add3A_589 : i32
      %dma_start3A_591 = arith.constant 4 : i32
      %dma_start3A_592 = arith.constant 0 : i32
      %dma_start3A_593 = arith.constant 0 : i32
      %dma_start3A_594 = tpu.memref_slice %arg6[%dma_start3A_591, %dma_start3A_592, %dma_start3A_593] : memref<5x128x128xf32, #tpu.memory_space<vmem>> -> memref<1x128x128xf32, #tpu.memory_space<vmem>>
      %dma_start3A_595 = tpu.memref_squeeze %dma_start3A_594 : memref<1x128x128xf32, #tpu.memory_space<vmem>> -> memref<128x128xf32, #tpu.memory_space<vmem>>
      %dma_start3A_596 = arith.constant 0 : i32
      %dma_start3A_597 = tpu.memref_slice %arg5[%add3A_590, %dma_start3A_596] : memref<200x128xi32, #tpu.memory_space<vmem>> -> memref<1x128xi32, #tpu.memory_space<vmem>>
      %dma_start3A_598 = tpu.memref_squeeze %dma_start3A_597 : memref<1x128xi32, #tpu.memory_space<vmem>> -> memref<128xi32, #tpu.memory_space<vmem>>
      %dma_start3A_599 = arith.constant 0 : i32
      %dma_start3A_600 = arith.constant 0 : i32
      %dma_start3A_601 = tpu.memref_slice %arg3[%dma_start3A_599, %dma_start3A_600] : memref<1000000x128xf32, #tpu.memory_space<hbm>> -> memref<1000000x128xf32, #tpu.memory_space<hbm>>
      tpu.enqueue_indirect_dma source(%dma_start3A_601 : memref<1000000x128xf32, #tpu.memory_space<hbm>>) target(%dma_start3A_595 : memref<128x128xf32, #tpu.memory_space<vmem>>) offsets(%dma_start3A_598 : memref<128xi32, #tpu.memory_space<vmem>>) semaphore(%arg11 : memref<!tpu.dma_semaphore, #tpu.memory_space<semaphore_mem>>)
    }
    %scan3A_66 = arith.constant 39 : i32
    %dma_wait3A = arith.constant 0 : i32
    %dma_wait3A_67 = arith.constant 0 : i32
    %dma_wait3A_68 = arith.constant 0 : i32
    %dma_wait3A_69 = arith.constant 0 : i32
    %dma_wait3A_70 = tpu.memref_slice %arg6[%dma_wait3A_67, %dma_wait3A_68, %dma_wait3A_69] : memref<5x128x128xf32, #tpu.memory_space<vmem>> -> memref<1x128x128xf32, #tpu.memory_space<vmem>>
    %dma_wait3A_71 = tpu.memref_squeeze %dma_wait3A_70 : memref<1x128x128xf32, #tpu.memory_space<vmem>> -> memref<128x128xf32, #tpu.memory_space<vmem>>
    %dma_wait3A_72 = arith.constant 0 : i32
    %dma_wait3A_73 = tpu.memref_slice %arg5[%dma_wait3A, %dma_wait3A_72] : memref<200x128xi32, #tpu.memory_space<vmem>> -> memref<1x128xi32, #tpu.memory_space<vmem>>
    %dma_wait3A_74 = tpu.memref_squeeze %dma_wait3A_73 : memref<1x128xi32, #tpu.memory_space<vmem>> -> memref<128xi32, #tpu.memory_space<vmem>>
    %dma_wait3A_75 = arith.constant 0 : i32
    %dma_wait3A_76 = arith.constant 0 : i32
    %dma_wait3A_77 = tpu.memref_slice %arg3[%dma_wait3A_75, %dma_wait3A_76] : memref<1000000x128xf32, #tpu.memory_space<hbm>> -> memref<1000000x128xf32, #tpu.memory_space<hbm>>
    tpu.wait_indirect_dma semaphore(%arg7 : memref<!tpu.dma_semaphore, #tpu.memory_space<semaphore_mem>>) src(%dma_wait3A_77 : memref<1000000x128xf32, #tpu.memory_space<hbm>>) dst(%dma_wait3A_71 : memref<128x128xf32, #tpu.memory_space<vmem>>)
    %add3A_78 = arith.constant 24960 : i32
    %add3A_79 = arith.addi %mul3A_2, %add3A_78 : i32
    %dma_start3A_80 = arith.constant 0 : i32
    %dma_start3A_81 = arith.constant 0 : i32
    %dma_start3A_82 = arith.constant 0 : i32
    %dma_start3A_83 = tpu.memref_slice %arg6[%dma_start3A_80, %dma_start3A_81, %dma_start3A_82] : memref<5x128x128xf32, #tpu.memory_space<vmem>> -> memref<1x128x128xf32, #tpu.memory_space<vmem>>
    %dma_start3A_84 = tpu.memref_squeeze %dma_start3A_83 : memref<1x128x128xf32, #tpu.memory_space<vmem>> -> memref<128x128xf32, #tpu.memory_space<vmem>>
    %dma_start3A_85 = arith.constant 0 : i32
    %dma_start3A_86 = tpu.memref_slice %arg4[%add3A_79, %dma_start3A_85] : memref<819200x128xf32, #tpu.memory_space<hbm>> -> memref<128x128xf32, #tpu.memory_space<hbm>>
    %dma_start3A_87 = arith.constant 0 : i32
    %dma_start3A_88 = tpu.memref_slice %arg4[%add3A_79, %dma_start3A_87] : memref<819200x128xf32, #tpu.memory_space<hbm>> -> memref<128x128xf32, #tpu.memory_space<hbm>>
    %dma_start3A_89 = arith.constant 0 : i32
    %dma_start3A_90 = arith.constant 0 : i32
    %dma_start3A_91 = tpu.memref_slice %arg6[%dma_start3A_80, %dma_start3A_89, %dma_start3A_90] : memref<5x128x128xf32, #tpu.memory_space<vmem>> -> memref<1x128x128xf32, #tpu.memory_space<vmem>>
    %dma_start3A_92 = tpu.memref_squeeze %dma_start3A_91 : memref<1x128x128xf32, #tpu.memory_space<vmem>> -> memref<128x128xf32, #tpu.memory_space<vmem>>
    tpu.enqueue_dma source(%dma_start3A_92 : memref<128x128xf32, #tpu.memory_space<vmem>>) target(%dma_start3A_88 : memref<128x128xf32, #tpu.memory_space<hbm>>) target_semaphore(%arg12 : memref<!tpu.dma_semaphore, #tpu.memory_space<semaphore_mem>>)
    %dma_wait3A_93 = arith.constant 1 : i32
    %dma_wait3A_94 = arith.constant 1 : i32
    %dma_wait3A_95 = arith.constant 0 : i32
    %dma_wait3A_96 = arith.constant 0 : i32
    %dma_wait3A_97 = tpu.memref_slice %arg6[%dma_wait3A_94, %dma_wait3A_95, %dma_wait3A_96] : memref<5x128x128xf32, #tpu.memory_space<vmem>> -> memref<1x128x128xf32, #tpu.memory_space<vmem>>
    %dma_wait3A_98 = tpu.memref_squeeze %dma_wait3A_97 : memref<1x128x128xf32, #tpu.memory_space<vmem>> -> memref<128x128xf32, #tpu.memory_space<vmem>>
    %dma_wait3A_99 = arith.constant 0 : i32
    %dma_wait3A_100 = tpu.memref_slice %arg5[%dma_wait3A_93, %dma_wait3A_99] : memref<200x128xi32, #tpu.memory_space<vmem>> -> memref<1x128xi32, #tpu.memory_space<vmem>>
    %dma_wait3A_101 = tpu.memref_squeeze %dma_wait3A_100 : memref<1x128xi32, #tpu.memory_space<vmem>> -> memref<128xi32, #tpu.memory_space<vmem>>
    %dma_wait3A_102 = arith.constant 0 : i32
    %dma_wait3A_103 = arith.constant 0 : i32
    %dma_wait3A_104 = tpu.memref_slice %arg3[%dma_wait3A_102, %dma_wait3A_103] : memref<1000000x128xf32, #tpu.memory_space<hbm>> -> memref<1000000x128xf32, #tpu.memory_space<hbm>>
    tpu.wait_indirect_dma semaphore(%arg8 : memref<!tpu.dma_semaphore, #tpu.memory_space<semaphore_mem>>) src(%dma_wait3A_104 : memref<1000000x128xf32, #tpu.memory_space<hbm>>) dst(%dma_wait3A_98 : memref<128x128xf32, #tpu.memory_space<vmem>>)
    %add3A_105 = arith.constant 25088 : i32
    %add3A_106 = arith.addi %mul3A_2, %add3A_105 : i32
    %dma_start3A_107 = arith.constant 1 : i32
    %dma_start3A_108 = arith.constant 0 : i32
    %dma_start3A_109 = arith.constant 0 : i32
    %dma_start3A_110 = tpu.memref_slice %arg6[%dma_start3A_107, %dma_start3A_108, %dma_start3A_109] : memref<5x128x128xf32, #tpu.memory_space<vmem>> -> memref<1x128x128xf32, #tpu.memory_space<vmem>>
    %dma_start3A_111 = tpu.memref_squeeze %dma_start3A_110 : memref<1x128x128xf32, #tpu.memory_space<vmem>> -> memref<128x128xf32, #tpu.memory_space<vmem>>
    %dma_start3A_112 = arith.constant 0 : i32
    %dma_start3A_113 = tpu.memref_slice %arg4[%add3A_106, %dma_start3A_112] : memref<819200x128xf32, #tpu.memory_space<hbm>> -> memref<128x128xf32, #tpu.memory_space<hbm>>
    %dma_start3A_114 = arith.constant 0 : i32
    %dma_start3A_115 = tpu.memref_slice %arg4[%add3A_106, %dma_start3A_114] : memref<819200x128xf32, #tpu.memory_space<hbm>> -> memref<128x128xf32, #tpu.memory_space<hbm>>
    %dma_start3A_116 = arith.constant 0 : i32
    %dma_start3A_117 = arith.constant 0 : i32
    %dma_start3A_118 = tpu.memref_slice %arg6[%dma_start3A_107, %dma_start3A_116, %dma_start3A_117] : memref<5x128x128xf32, #tpu.memory_space<vmem>> -> memref<1x128x128xf32, #tpu.memory_space<vmem>>
    %dma_start3A_119 = tpu.memref_squeeze %dma_start3A_118 : memref<1x128x128xf32, #tpu.memory_space<vmem>> -> memref<128x128xf32, #tpu.memory_space<vmem>>
    tpu.enqueue_dma source(%dma_start3A_119 : memref<128x128xf32, #tpu.memory_space<vmem>>) target(%dma_start3A_115 : memref<128x128xf32, #tpu.memory_space<hbm>>) target_semaphore(%arg13 : memref<!tpu.dma_semaphore, #tpu.memory_space<semaphore_mem>>)
    %dma_wait3A_120 = arith.constant 2 : i32
    %dma_wait3A_121 = arith.constant 2 : i32
    %dma_wait3A_122 = arith.constant 0 : i32
    %dma_wait3A_123 = arith.constant 0 : i32
    %dma_wait3A_124 = tpu.memref_slice %arg6[%dma_wait3A_121, %dma_wait3A_122, %dma_wait3A_123] : memref<5x128x128xf32, #tpu.memory_space<vmem>> -> memref<1x128x128xf32, #tpu.memory_space<vmem>>
    %dma_wait3A_125 = tpu.memref_squeeze %dma_wait3A_124 : memref<1x128x128xf32, #tpu.memory_space<vmem>> -> memref<128x128xf32, #tpu.memory_space<vmem>>
    %dma_wait3A_126 = arith.constant 0 : i32
    %dma_wait3A_127 = tpu.memref_slice %arg5[%dma_wait3A_120, %dma_wait3A_126] : memref<200x128xi32, #tpu.memory_space<vmem>> -> memref<1x128xi32, #tpu.memory_space<vmem>>
    %dma_wait3A_128 = tpu.memref_squeeze %dma_wait3A_127 : memref<1x128xi32, #tpu.memory_space<vmem>> -> memref<128xi32, #tpu.memory_space<vmem>>
    %dma_wait3A_129 = arith.constant 0 : i32
    %dma_wait3A_130 = arith.constant 0 : i32
    %dma_wait3A_131 = tpu.memref_slice %arg3[%dma_wait3A_129, %dma_wait3A_130] : memref<1000000x128xf32, #tpu.memory_space<hbm>> -> memref<1000000x128xf32, #tpu.memory_space<hbm>>
    tpu.wait_indirect_dma semaphore(%arg9 : memref<!tpu.dma_semaphore, #tpu.memory_space<semaphore_mem>>) src(%dma_wait3A_131 : memref<1000000x128xf32, #tpu.memory_space<hbm>>) dst(%dma_wait3A_125 : memref<128x128xf32, #tpu.memory_space<vmem>>)
    %add3A_132 = arith.constant 25216 : i32
    %add3A_133 = arith.addi %mul3A_2, %add3A_132 : i32
    %dma_start3A_134 = arith.constant 2 : i32
    %dma_start3A_135 = arith.constant 0 : i32
    %dma_start3A_136 = arith.constant 0 : i32
    %dma_start3A_137 = tpu.memref_slice %arg6[%dma_start3A_134, %dma_start3A_135, %dma_start3A_136] : memref<5x128x128xf32, #tpu.memory_space<vmem>> -> memref<1x128x128xf32, #tpu.memory_space<vmem>>
    %dma_start3A_138 = tpu.memref_squeeze %dma_start3A_137 : memref<1x128x128xf32, #tpu.memory_space<vmem>> -> memref<128x128xf32, #tpu.memory_space<vmem>>
    %dma_start3A_139 = arith.constant 0 : i32
    %dma_start3A_140 = tpu.memref_slice %arg4[%add3A_133, %dma_start3A_139] : memref<819200x128xf32, #tpu.memory_space<hbm>> -> memref<128x128xf32, #tpu.memory_space<hbm>>
    %dma_start3A_141 = arith.constant 0 : i32
    %dma_start3A_142 = tpu.memref_slice %arg4[%add3A_133, %dma_start3A_141] : memref<819200x128xf32, #tpu.memory_space<hbm>> -> memref<128x128xf32, #tpu.memory_space<hbm>>
    %dma_start3A_143 = arith.constant 0 : i32
    %dma_start3A_144 = arith.constant 0 : i32
    %dma_start3A_145 = tpu.memref_slice %arg6[%dma_start3A_134, %dma_start3A_143, %dma_start3A_144] : memref<5x128x128xf32, #tpu.memory_space<vmem>> -> memref<1x128x128xf32, #tpu.memory_space<vmem>>
    %dma_start3A_146 = tpu.memref_squeeze %dma_start3A_145 : memref<1x128x128xf32, #tpu.memory_space<vmem>> -> memref<128x128xf32, #tpu.memory_space<vmem>>
    tpu.enqueue_dma source(%dma_start3A_146 : memref<128x128xf32, #tpu.memory_space<vmem>>) target(%dma_start3A_142 : memref<128x128xf32, #tpu.memory_space<hbm>>) target_semaphore(%arg14 : memref<!tpu.dma_semaphore, #tpu.memory_space<semaphore_mem>>)
    %dma_wait3A_147 = arith.constant 3 : i32
    %dma_wait3A_148 = arith.constant 3 : i32
    %dma_wait3A_149 = arith.constant 0 : i32
    %dma_wait3A_150 = arith.constant 0 : i32
    %dma_wait3A_151 = tpu.memref_slice %arg6[%dma_wait3A_148, %dma_wait3A_149, %dma_wait3A_150] : memref<5x128x128xf32, #tpu.memory_space<vmem>> -> memref<1x128x128xf32, #tpu.memory_space<vmem>>
    %dma_wait3A_152 = tpu.memref_squeeze %dma_wait3A_151 : memref<1x128x128xf32, #tpu.memory_space<vmem>> -> memref<128x128xf32, #tpu.memory_space<vmem>>
    %dma_wait3A_153 = arith.constant 0 : i32
    %dma_wait3A_154 = tpu.memref_slice %arg5[%dma_wait3A_147, %dma_wait3A_153] : memref<200x128xi32, #tpu.memory_space<vmem>> -> memref<1x128xi32, #tpu.memory_space<vmem>>
    %dma_wait3A_155 = tpu.memref_squeeze %dma_wait3A_154 : memref<1x128xi32, #tpu.memory_space<vmem>> -> memref<128xi32, #tpu.memory_space<vmem>>
    %dma_wait3A_156 = arith.constant 0 : i32
    %dma_wait3A_157 = arith.constant 0 : i32
    %dma_wait3A_158 = tpu.memref_slice %arg3[%dma_wait3A_156, %dma_wait3A_157] : memref<1000000x128xf32, #tpu.memory_space<hbm>> -> memref<1000000x128xf32, #tpu.memory_space<hbm>>
    tpu.wait_indirect_dma semaphore(%arg10 : memref<!tpu.dma_semaphore, #tpu.memory_space<semaphore_mem>>) src(%dma_wait3A_158 : memref<1000000x128xf32, #tpu.memory_space<hbm>>) dst(%dma_wait3A_152 : memref<128x128xf32, #tpu.memory_space<vmem>>)
    %add3A_159 = arith.constant 25344 : i32
    %add3A_160 = arith.addi %mul3A_2, %add3A_159 : i32
    %dma_start3A_161 = arith.constant 3 : i32
    %dma_start3A_162 = arith.constant 0 : i32
    %dma_start3A_163 = arith.constant 0 : i32
    %dma_start3A_164 = tpu.memref_slice %arg6[%dma_start3A_161, %dma_start3A_162, %dma_start3A_163] : memref<5x128x128xf32, #tpu.memory_space<vmem>> -> memref<1x128x128xf32, #tpu.memory_space<vmem>>
    %dma_start3A_165 = tpu.memref_squeeze %dma_start3A_164 : memref<1x128x128xf32, #tpu.memory_space<vmem>> -> memref<128x128xf32, #tpu.memory_space<vmem>>
    %dma_start3A_166 = arith.constant 0 : i32
    %dma_start3A_167 = tpu.memref_slice %arg4[%add3A_160, %dma_start3A_166] : memref<819200x128xf32, #tpu.memory_space<hbm>> -> memref<128x128xf32, #tpu.memory_space<hbm>>
    %dma_start3A_168 = arith.constant 0 : i32
    %dma_start3A_169 = tpu.memref_slice %arg4[%add3A_160, %dma_start3A_168] : memref<819200x128xf32, #tpu.memory_space<hbm>> -> memref<128x128xf32, #tpu.memory_space<hbm>>
    %dma_start3A_170 = arith.constant 0 : i32
    %dma_start3A_171 = arith.constant 0 : i32
    %dma_start3A_172 = tpu.memref_slice %arg6[%dma_start3A_161, %dma_start3A_170, %dma_start3A_171] : memref<5x128x128xf32, #tpu.memory_space<vmem>> -> memref<1x128x128xf32, #tpu.memory_space<vmem>>
    %dma_start3A_173 = tpu.memref_squeeze %dma_start3A_172 : memref<1x128x128xf32, #tpu.memory_space<vmem>> -> memref<128x128xf32, #tpu.memory_space<vmem>>
    tpu.enqueue_dma source(%dma_start3A_173 : memref<128x128xf32, #tpu.memory_space<vmem>>) target(%dma_start3A_169 : memref<128x128xf32, #tpu.memory_space<hbm>>) target_semaphore(%arg15 : memref<!tpu.dma_semaphore, #tpu.memory_space<semaphore_mem>>)
    %dma_wait3A_174 = arith.constant 4 : i32
    %dma_wait3A_175 = arith.constant 4 : i32
    %dma_wait3A_176 = arith.constant 0 : i32
    %dma_wait3A_177 = arith.constant 0 : i32
    %dma_wait3A_178 = tpu.memref_slice %arg6[%dma_wait3A_175, %dma_wait3A_176, %dma_wait3A_177] : memref<5x128x128xf32, #tpu.memory_space<vmem>> -> memref<1x128x128xf32, #tpu.memory_space<vmem>>
    %dma_wait3A_179 = tpu.memref_squeeze %dma_wait3A_178 : memref<1x128x128xf32, #tpu.memory_space<vmem>> -> memref<128x128xf32, #tpu.memory_space<vmem>>
    %dma_wait3A_180 = arith.constant 0 : i32
    %dma_wait3A_181 = tpu.memref_slice %arg5[%dma_wait3A_174, %dma_wait3A_180] : memref<200x128xi32, #tpu.memory_space<vmem>> -> memref<1x128xi32, #tpu.memory_space<vmem>>
    %dma_wait3A_182 = tpu.memref_squeeze %dma_wait3A_181 : memref<1x128xi32, #tpu.memory_space<vmem>> -> memref<128xi32, #tpu.memory_space<vmem>>
    %dma_wait3A_183 = arith.constant 0 : i32
    %dma_wait3A_184 = arith.constant 0 : i32
    %dma_wait3A_185 = tpu.memref_slice %arg3[%dma_wait3A_183, %dma_wait3A_184] : memref<1000000x128xf32, #tpu.memory_space<hbm>> -> memref<1000000x128xf32, #tpu.memory_space<hbm>>
    tpu.wait_indirect_dma semaphore(%arg11 : memref<!tpu.dma_semaphore, #tpu.memory_space<semaphore_mem>>) src(%dma_wait3A_185 : memref<1000000x128xf32, #tpu.memory_space<hbm>>) dst(%dma_wait3A_179 : memref<128x128xf32, #tpu.memory_space<vmem>>)
    %add3A_186 = arith.constant 25472 : i32
    %add3A_187 = arith.addi %mul3A_2, %add3A_186 : i32
    %dma_start3A_188 = arith.constant 4 : i32
    %dma_start3A_189 = arith.constant 0 : i32
    %dma_start3A_190 = arith.constant 0 : i32
    %dma_start3A_191 = tpu.memref_slice %arg6[%dma_start3A_188, %dma_start3A_189, %dma_start3A_190] : memref<5x128x128xf32, #tpu.memory_space<vmem>> -> memref<1x128x128xf32, #tpu.memory_space<vmem>>
    %dma_start3A_192 = tpu.memref_squeeze %dma_start3A_191 : memref<1x128x128xf32, #tpu.memory_space<vmem>> -> memref<128x128xf32, #tpu.memory_space<vmem>>
    %dma_start3A_193 = arith.constant 0 : i32
    %dma_start3A_194 = tpu.memref_slice %arg4[%add3A_187, %dma_start3A_193] : memref<819200x128xf32, #tpu.memory_space<hbm>> -> memref<128x128xf32, #tpu.memory_space<hbm>>
    %dma_start3A_195 = arith.constant 0 : i32
    %dma_start3A_196 = tpu.memref_slice %arg4[%add3A_187, %dma_start3A_195] : memref<819200x128xf32, #tpu.memory_space<hbm>> -> memref<128x128xf32, #tpu.memory_space<hbm>>
    %dma_start3A_197 = arith.constant 0 : i32
    %dma_start3A_198 = arith.constant 0 : i32
    %dma_start3A_199 = tpu.memref_slice %arg6[%dma_start3A_188, %dma_start3A_197, %dma_start3A_198] : memref<5x128x128xf32, #tpu.memory_space<vmem>> -> memref<1x128x128xf32, #tpu.memory_space<vmem>>
    %dma_start3A_200 = tpu.memref_squeeze %dma_start3A_199 : memref<1x128x128xf32, #tpu.memory_space<vmem>> -> memref<128x128xf32, #tpu.memory_space<vmem>>
    tpu.enqueue_dma source(%dma_start3A_200 : memref<128x128xf32, #tpu.memory_space<vmem>>) target(%dma_start3A_196 : memref<128x128xf32, #tpu.memory_space<hbm>>) target_semaphore(%arg16 : memref<!tpu.dma_semaphore, #tpu.memory_space<semaphore_mem>>)
    %add3A_201 = arith.constant 24960 : i32
    %add3A_202 = arith.addi %mul3A_2, %add3A_201 : i32
    %dma_wait3A_203 = arith.constant 0 : i32
    %dma_wait3A_204 = arith.constant 0 : i32
    %dma_wait3A_205 = arith.constant 0 : i32
    %dma_wait3A_206 = tpu.memref_slice %arg6[%dma_wait3A_203, %dma_wait3A_204, %dma_wait3A_205] : memref<5x128x128xf32, #tpu.memory_space<vmem>> -> memref<1x128x128xf32, #tpu.memory_space<vmem>>
    %dma_wait3A_207 = tpu.memref_squeeze %dma_wait3A_206 : memref<1x128x128xf32, #tpu.memory_space<vmem>> -> memref<128x128xf32, #tpu.memory_space<vmem>>
    %dma_wait3A_208 = arith.constant 0 : i32
    %dma_wait3A_209 = tpu.memref_slice %arg4[%add3A_202, %dma_wait3A_208] : memref<819200x128xf32, #tpu.memory_space<hbm>> -> memref<128x128xf32, #tpu.memory_space<hbm>>
    %dma_wait3A_210 = arith.constant 0 : i32
    %dma_wait3A_211 = tpu.memref_slice %arg4[%add3A_202, %dma_wait3A_210] : memref<819200x128xf32, #tpu.memory_space<hbm>> -> memref<128x128xf32, #tpu.memory_space<hbm>>
    %dma_wait3A_212 = arith.constant 0 : i32
    %dma_wait3A_213 = arith.constant 0 : i32
    %dma_wait3A_214 = tpu.memref_slice %arg6[%dma_wait3A_203, %dma_wait3A_212, %dma_wait3A_213] : memref<5x128x128xf32, #tpu.memory_space<vmem>> -> memref<1x128x128xf32, #tpu.memory_space<vmem>>
    %dma_wait3A_215 = tpu.memref_squeeze %dma_wait3A_214 : memref<1x128x128xf32, #tpu.memory_space<vmem>> -> memref<128x128xf32, #tpu.memory_space<vmem>>
    tpu.wait_dma2 semaphore(%arg12 : memref<!tpu.dma_semaphore, #tpu.memory_space<semaphore_mem>>) src(%dma_wait3A_215 : memref<128x128xf32, #tpu.memory_space<vmem>>) dst(%dma_wait3A_211 : memref<128x128xf32, #tpu.memory_space<hbm>>)
    %add3A_216 = arith.constant 25088 : i32
    %add3A_217 = arith.addi %mul3A_2, %add3A_216 : i32
    %dma_wait3A_218 = arith.constant 1 : i32
    %dma_wait3A_219 = arith.constant 0 : i32
    %dma_wait3A_220 = arith.constant 0 : i32
    %dma_wait3A_221 = tpu.memref_slice %arg6[%dma_wait3A_218, %dma_wait3A_219, %dma_wait3A_220] : memref<5x128x128xf32, #tpu.memory_space<vmem>> -> memref<1x128x128xf32, #tpu.memory_space<vmem>>
    %dma_wait3A_222 = tpu.memref_squeeze %dma_wait3A_221 : memref<1x128x128xf32, #tpu.memory_space<vmem>> -> memref<128x128xf32, #tpu.memory_space<vmem>>
    %dma_wait3A_223 = arith.constant 0 : i32
    %dma_wait3A_224 = tpu.memref_slice %arg4[%add3A_217, %dma_wait3A_223] : memref<819200x128xf32, #tpu.memory_space<hbm>> -> memref<128x128xf32, #tpu.memory_space<hbm>>
    %dma_wait3A_225 = arith.constant 0 : i32
    %dma_wait3A_226 = tpu.memref_slice %arg4[%add3A_217, %dma_wait3A_225] : memref<819200x128xf32, #tpu.memory_space<hbm>> -> memref<128x128xf32, #tpu.memory_space<hbm>>
    %dma_wait3A_227 = arith.constant 0 : i32
    %dma_wait3A_228 = arith.constant 0 : i32
    %dma_wait3A_229 = tpu.memref_slice %arg6[%dma_wait3A_218, %dma_wait3A_227, %dma_wait3A_228] : memref<5x128x128xf32, #tpu.memory_space<vmem>> -> memref<1x128x128xf32, #tpu.memory_space<vmem>>
    %dma_wait3A_230 = tpu.memref_squeeze %dma_wait3A_229 : memref<1x128x128xf32, #tpu.memory_space<vmem>> -> memref<128x128xf32, #tpu.memory_space<vmem>>
    tpu.wait_dma2 semaphore(%arg13 : memref<!tpu.dma_semaphore, #tpu.memory_space<semaphore_mem>>) src(%dma_wait3A_230 : memref<128x128xf32, #tpu.memory_space<vmem>>) dst(%dma_wait3A_226 : memref<128x128xf32, #tpu.memory_space<hbm>>)
    %add3A_231 = arith.constant 25216 : i32
    %add3A_232 = arith.addi %mul3A_2, %add3A_231 : i32
    %dma_wait3A_233 = arith.constant 2 : i32
    %dma_wait3A_234 = arith.constant 0 : i32
    %dma_wait3A_235 = arith.constant 0 : i32
    %dma_wait3A_236 = tpu.memref_slice %arg6[%dma_wait3A_233, %dma_wait3A_234, %dma_wait3A_235] : memref<5x128x128xf32, #tpu.memory_space<vmem>> -> memref<1x128x128xf32, #tpu.memory_space<vmem>>
    %dma_wait3A_237 = tpu.memref_squeeze %dma_wait3A_236 : memref<1x128x128xf32, #tpu.memory_space<vmem>> -> memref<128x128xf32, #tpu.memory_space<vmem>>
    %dma_wait3A_238 = arith.constant 0 : i32
    %dma_wait3A_239 = tpu.memref_slice %arg4[%add3A_232, %dma_wait3A_238] : memref<819200x128xf32, #tpu.memory_space<hbm>> -> memref<128x128xf32, #tpu.memory_space<hbm>>
    %dma_wait3A_240 = arith.constant 0 : i32
    %dma_wait3A_241 = tpu.memref_slice %arg4[%add3A_232, %dma_wait3A_240] : memref<819200x128xf32, #tpu.memory_space<hbm>> -> memref<128x128xf32, #tpu.memory_space<hbm>>
    %dma_wait3A_242 = arith.constant 0 : i32
    %dma_wait3A_243 = arith.constant 0 : i32
    %dma_wait3A_244 = tpu.memref_slice %arg6[%dma_wait3A_233, %dma_wait3A_242, %dma_wait3A_243] : memref<5x128x128xf32, #tpu.memory_space<vmem>> -> memref<1x128x128xf32, #tpu.memory_space<vmem>>
    %dma_wait3A_245 = tpu.memref_squeeze %dma_wait3A_244 : memref<1x128x128xf32, #tpu.memory_space<vmem>> -> memref<128x128xf32, #tpu.memory_space<vmem>>
    tpu.wait_dma2 semaphore(%arg14 : memref<!tpu.dma_semaphore, #tpu.memory_space<semaphore_mem>>) src(%dma_wait3A_245 : memref<128x128xf32, #tpu.memory_space<vmem>>) dst(%dma_wait3A_241 : memref<128x128xf32, #tpu.memory_space<hbm>>)
    %add3A_246 = arith.constant 25344 : i32
    %add3A_247 = arith.addi %mul3A_2, %add3A_246 : i32
    %dma_wait3A_248 = arith.constant 3 : i32
    %dma_wait3A_249 = arith.constant 0 : i32
    %dma_wait3A_250 = arith.constant 0 : i32
    %dma_wait3A_251 = tpu.memref_slice %arg6[%dma_wait3A_248, %dma_wait3A_249, %dma_wait3A_250] : memref<5x128x128xf32, #tpu.memory_space<vmem>> -> memref<1x128x128xf32, #tpu.memory_space<vmem>>
    %dma_wait3A_252 = tpu.memref_squeeze %dma_wait3A_251 : memref<1x128x128xf32, #tpu.memory_space<vmem>> -> memref<128x128xf32, #tpu.memory_space<vmem>>
    %dma_wait3A_253 = arith.constant 0 : i32
    %dma_wait3A_254 = tpu.memref_slice %arg4[%add3A_247, %dma_wait3A_253] : memref<819200x128xf32, #tpu.memory_space<hbm>> -> memref<128x128xf32, #tpu.memory_space<hbm>>
    %dma_wait3A_255 = arith.constant 0 : i32
    %dma_wait3A_256 = tpu.memref_slice %arg4[%add3A_247, %dma_wait3A_255] : memref<819200x128xf32, #tpu.memory_space<hbm>> -> memref<128x128xf32, #tpu.memory_space<hbm>>
    %dma_wait3A_257 = arith.constant 0 : i32
    %dma_wait3A_258 = arith.constant 0 : i32
    %dma_wait3A_259 = tpu.memref_slice %arg6[%dma_wait3A_248, %dma_wait3A_257, %dma_wait3A_258] : memref<5x128x128xf32, #tpu.memory_space<vmem>> -> memref<1x128x128xf32, #tpu.memory_space<vmem>>
    %dma_wait3A_260 = tpu.memref_squeeze %dma_wait3A_259 : memref<1x128x128xf32, #tpu.memory_space<vmem>> -> memref<128x128xf32, #tpu.memory_space<vmem>>
    tpu.wait_dma2 semaphore(%arg15 : memref<!tpu.dma_semaphore, #tpu.memory_space<semaphore_mem>>) src(%dma_wait3A_260 : memref<128x128xf32, #tpu.memory_space<vmem>>) dst(%dma_wait3A_256 : memref<128x128xf32, #tpu.memory_space<hbm>>)
    %add3A_261 = arith.constant 25472 : i32
    %add3A_262 = arith.addi %mul3A_2, %add3A_261 : i32
    %dma_wait3A_263 = arith.constant 4 : i32
    %dma_wait3A_264 = arith.constant 0 : i32
    %dma_wait3A_265 = arith.constant 0 : i32
    %dma_wait3A_266 = tpu.memref_slice %arg6[%dma_wait3A_263, %dma_wait3A_264, %dma_wait3A_265] : memref<5x128x128xf32, #tpu.memory_space<vmem>> -> memref<1x128x128xf32, #tpu.memory_space<vmem>>
    %dma_wait3A_267 = tpu.memref_squeeze %dma_wait3A_266 : memref<1x128x128xf32, #tpu.memory_space<vmem>> -> memref<128x128xf32, #tpu.memory_space<vmem>>
    %dma_wait3A_268 = arith.constant 0 : i32
    %dma_wait3A_269 = tpu.memref_slice %arg4[%add3A_262, %dma_wait3A_268] : memref<819200x128xf32, #tpu.memory_space<hbm>> -> memref<128x128xf32, #tpu.memory_space<hbm>>
    %dma_wait3A_270 = arith.constant 0 : i32
    %dma_wait3A_271 = tpu.memref_slice %arg4[%add3A_262, %dma_wait3A_270] : memref<819200x128xf32, #tpu.memory_space<hbm>> -> memref<128x128xf32, #tpu.memory_space<hbm>>
    %dma_wait3A_272 = arith.constant 0 : i32
    %dma_wait3A_273 = arith.constant 0 : i32
    %dma_wait3A_274 = tpu.memref_slice %arg6[%dma_wait3A_263, %dma_wait3A_272, %dma_wait3A_273] : memref<5x128x128xf32, #tpu.memory_space<vmem>> -> memref<1x128x128xf32, #tpu.memory_space<vmem>>
    %dma_wait3A_275 = tpu.memref_squeeze %dma_wait3A_274 : memref<1x128x128xf32, #tpu.memory_space<vmem>> -> memref<128x128xf32, #tpu.memory_space<vmem>>
    tpu.wait_dma2 semaphore(%arg16 : memref<!tpu.dma_semaphore, #tpu.memory_space<semaphore_mem>>) src(%dma_wait3A_275 : memref<128x128xf32, #tpu.memory_space<vmem>>) dst(%dma_wait3A_271 : memref<128x128xf32, #tpu.memory_space<hbm>>)
    return
  }
}

</mosaic_0001>

<sc_bundles>
// kernel: kernel.3.cloned.1.call-start
scs
__scs_entry_jumppad:
0x0: {  	(pc) =	sbr.rel $0x88, $3  }
0x1: {  	(tag) =	ssettag $0x0;
	lr =	simm.s32 $0x1  }
0x2: {  	[smem:$0x3F9F] =	sst lr;
	_ =	strace $0xD0000000  }
0x3: {  	_ = 	snop  }
0x4: {  	_ = 	snop  }
0x5: {  	_ = 	snop  }
0x6: {  	_ = 	snop  }
0x7: {  	_ = 	snop  }
__scs_overlays_trampoline_lowered:
0x8: {  	[smem:$0x3FAE] =	sst s0  }
0x9: {  	[smem:$0x3FAF] =	sst s1  }
0xa: {  	[smem:$0x3FB0] =	sst s2  }
0xb: {  	[smem:$0x3FB1] =	sst s3  }
0xc: {  	[smem:$0x3FB2] =	sst s4  }
0xd: {  	[smem:$0x3FB3] =	sst s5  }
0xe: {  	[smem:$0x3FB4] =	sst s6  }
0xf: {  	[smem:$0x3FB5] =	sst s7  }
0x10: {  	[smem:$0x3FB6] =	sst s8  }
0x11: {  	[smem:$0x3FB7] =	sst s9;
	s0 =	simm.s32 @!p0 $0x0  }
0x12: {  	s1 =	sld [smem:$0x3F9D];
	s0 =	simm.s32 @p0 $0x1  }
0x13: {  	[smem:$0x3FB8] =	sst s0;
	s0 =	simm.s32 @!p1 $0x0  }
0x14: {  	s2 =	sld [smem:$0x3F9C];
	s0 =	simm.s32 @p1 $0x1  }
0x15: {  	[smem:$0x3FB9] =	sst s0;
	s0 =	simm.s32 @!p2 $0x0  }
0x16: {  	s3 =	sld [smem:$0x3FDB];
	s0 =	simm.s32 @p2 $0x1  }
0x17: {  	s4 =	simm.s32 $0x1BF5;
	[smem:$0x3FBB] =	sst s0  }
0x18: {  	s0 =	sld [smem:$0x3F9E];
	_ =	swait.ge [sflag:s4], $0x0  }
0x19: {  	s7 =	sld [smem:$0x3F9F]  }
0x1a: {  	s8 =	sadd.s32 $0xFFFFE003, lr  }
0x1b: {  	s9 =	sadd.s32 $0xFFFFFEF7, lr;
	s5 =	simm.s32 $0xFFFFFFFF;
	p2 =	slt.u32 s8, $0xFFFFF086  }
0x1c: {  	p1 =	slt.u32 s9, $0xF7A;
	s5 =	simm.s32 @!p2 $0x0  }
0x1d: {  	s5 =	simm.s32 @p1 $0x1;
	p0 =	seq.s32 s7, s2  }
0x1e: {  	s7 =	smul.u32 @!p0 $0xF7A, s2;
	p2 =	seq.s32 @!p0 s5, $0x0  }
0x1f: {  	s9 =	smul.u32 $0xF7A, s1;
	s8 =	simm.s32 @!p0 $0x1BF5;
	p2 =	por !p2, p0  }
0x20: {  	[sflag:s8] =	ssyncset.s32 @!p0 $0xFFFFF086;
	s6 =	sadd.s32 @!p0 s3, s7;
	s7 =	simm.s32 @!p0 $0x108  }
0x21: {  	s3 =	sadd.s32 s3, s9;
	s6 =	sadd.s32 @!p0 $0x88, s6;
	s7 =	simm.s32 @p2 $0x1082  }
0x22: {  	[simem:s7], [sflag:s8] =	dma.local @!p0 [hbm:s6], $0xF7A  }
0x23: {  	s9 =	sor.u32 $0xD0000000, s2;
	s6 =	simm.s32 $0x108;
	_ =	swait.ge @!p0 [sflag:s8], $0x0  }
0x24: {  	s3 =	sadd.s32 $0x88, s3;
	s6 =	simm.s32 @!p1 $0x1082;
	[sflag:s4] =	ssyncset.s32 $0xFFFFF086  }
0x25: {  	[simem:s6], [sflag:s4] =	dma.local [hbm:s3], $0xF7A  }
0x26: {  	[smem:$0x3F9F] =	sst s1;
	(tag) =	ssettag s2;
	_ =	strace s9  }
0x27: {  	s1 =	sld [smem:$0x3FAF]  }
0x28: {  	s2 =	sld [smem:$0x3FB0]  }
0x29: {  	s4 =	sld [smem:$0x3FB2]  }
0x2a: {  	p0 =	seq.s32 s5, $0x0;
	s5 =	sld [smem:$0x3FB3]  }
0x2b: {  	s6 =	sld [smem:$0x3FB4]  }
0x2c: {  	s7 =	sld [smem:$0x3FB5]  }
0x2d: {  	s3 =	simm.s32 $0x108;
	s8 =	sld [smem:$0x3FB6]  }
0x2e: {  	s3 =	simm.s32 @!p0 $0x1082;
	s9 =	sld [smem:$0x3FB7]  }
0x2f: {  	lr =	sadd.s32 s0, s3;
	s0 =	sld [smem:$0x3FAE]  }
0x30: {  	s3 =	sld [smem:$0x3FB1]  }
0x31: {  	[smem:$0x3FBA] =	sst s10  }
0x32: {  	s10 =	sld [smem:$0x3FB8];
	_ =	sdelay $0x3  }
0x33: {  	p0 =	seq.s32 s10, $0x1;
	s10 =	sld [smem:$0x3FBA];
	_ =	sdelay $0x3  }
0x34: {  	[smem:$0x3FBA] =	sst s10  }
0x35: {  	s10 =	sld [smem:$0x3FB9];
	_ =	sdelay $0x3  }
0x36: {  	p1 =	seq.s32 s10, $0x1;
	s10 =	sld [smem:$0x3FBA];
	_ =	sdelay $0x3  }
0x37: {  	[smem:$0x3FBA] =	sst s10  }
0x38: {  	s10 =	sld [smem:$0x3FBB]  }
0x39: {  	_ = 	snop;
	(pc) =	sbr.ind lr, $3  }
0x3a: {  	_ = 	snop  }
0x3b: {  	_ = 	snop  }
0x3c: {  	p2 =	seq.s32 s10, $0x1;
	s10 =	sld [smem:$0x3FBA]  }
0x3d: {  	_ =	shalt  }
0x3e: {  	_ =	shalt  }
0x3f: {  	_ =	shalt  }
0x40: {  	_ =	shalt  }
0x41: {  	_ =	shalt  }
0x42: {  	_ =	shalt  }
0x43: {  	_ =	shalt  }
0x44: {  	_ =	shalt  }
0x45: {  	_ =	shalt  }
0x46: {  	_ =	shalt  }
0x47: {  	_ =	shalt  }
0x48: {  	_ =	shalt  }
0x49: {  	_ =	shalt  }
0x4a: {  	_ =	shalt  }
0x4b: {  	_ =	shalt  }
0x4c: {  	_ =	shalt  }
0x4d: {  	_ =	shalt  }
0x4e: {  	_ =	shalt  }
0x4f: {  	_ =	shalt  }
0x50: {  	_ =	shalt  }
0x51: {  	_ =	shalt  }
0x52: {  	_ =	shalt  }
0x53: {  	_ =	shalt  }
0x54: {  	_ =	shalt  }
0x55: {  	_ =	shalt  }
0x56: {  	_ =	shalt  }
0x57: {  	_ =	shalt  }
0x58: {  	_ =	shalt  }
0x59: {  	_ =	shalt  }
0x5a: {  	_ =	shalt  }
0x5b: {  	_ =	shalt  }
0x5c: {  	_ =	shalt  }
0x5d: {  	_ =	shalt  }
0x5e: {  	_ =	shalt  }
0x5f: {  	_ =	shalt  }
0x60: {  	_ =	shalt  }
0x61: {  	_ =	shalt  }
0x62: {  	_ =	shalt  }
0x63: {  	_ =	shalt  }
0x64: {  	_ =	shalt  }
0x65: {  	_ =	shalt  }
0x66: {  	_ =	shalt  }
0x67: {  	_ =	shalt  }
0x68: {  	_ =	shalt  }
0x69: {  	_ =	shalt  }
0x6a: {  	_ =	shalt  }
0x6b: {  	_ =	shalt  }
0x6c: {  	_ =	shalt  }
0x6d: {  	_ =	shalt  }
0x6e: {  	_ =	shalt  }
0x6f: {  	_ =	shalt  }
0x70: {  	_ =	shalt  }
0x71: {  	_ =	shalt  }
0x72: {  	_ =	shalt  }
0x73: {  	_ =	shalt  }
0x74: {  	_ =	shalt  }
0x75: {  	_ =	shalt  }
0x76: {  	_ =	shalt  }
0x77: {  	_ =	shalt  }
0x78: {  	_ =	shalt  }
0x79: {  	_ =	shalt  }
0x7a: {  	_ =	shalt  }
0x7b: {  	_ =	shalt  }
0x7c: {  	_ =	shalt  }
0x7d: {  	_ =	shalt  }
0x7e: {  	_ =	shalt  }
0x7f: {  	_ =	shalt  }
0x80: {  	_ =	shalt  }
0x81: {  	_ =	shalt  }
0x82: {  	_ =	shalt  }
0x83: {  	_ =	shalt  }
0x84: {  	_ =	shalt  }
0x85: {  	_ =	shalt  }
0x86: {  	_ =	shalt  }
0x87: {  	_ =	shalt  }
.Lfunc_end0:
.L_simem_size_0:
called_computation.1_lowered:
.L_overlay_start_0:
0x88: {  	s2 =	sld [smem:$0x3FD9]  }
0x89: {  	s3 =	sld [smem:$0x3FFE];
	_ =	sdelay $0x1  }
0x8a: {  	s1 =	srdreg.scid  }
0x8b: {  	s0 =	sand.u32 $0x1, s1  }
0x8c: {  	s17 =	sshll.u32 s0, $0xA;
	s2 =	sadd.s32 s3, s2  }
0x8d: {  	s2 =	sadd.s32 s2, s17  }
0x8e: {  	[smem:$0x3FC6] =	sst s2  }
0x8f: {  	_ = 	snop  }
0x90: {  	s2 =	sld [smem:$0x3FD0];
	(tm) =	ssettm $0x1  }
0x91: {  	s18 =	sld [smem:$0x3FFB];
	_ =	sdelay $0x3  }
0x92: {  	_ =	strace s18  }
0x93: {  	s3 =	sld [smem:$0x3FFC];
	_ =	sdelay $0x3  }
0x94: {  	_ =	strace s3  }
0x95: {  	s3 =	sld [smem:$0x3FFD];
	_ =	sdelay $0x3  }
0x96: {  	_ =	strace s3  }
0x97: {  	_ =	strace $0x8FFFFFFF  }
0x98: {  	s19 =	sld [smem:$0x3FDB];
	_ =	sdelay $0x1  }
0x99: {  	s4 =	simm.s32 $_scs_section_size  }
0x9a: {  	s5 =	simm.s32 $_size__tile_overlayer_lowered;
	s6 =	simm.s32 $_tile_overlayer_lowered  }
0x9b: {  	s22 =	simm.s32 $0x1BFF;
	s21 =	sshll.u32 s6, $0x1;
	s3 =	sadd.s32 s4, s19  }
0x9c: {  	s7 =	simm.s32 $0x0;
	s20 =	sshll.u32 s5, $0x1;
	s5 =	sadd.s32 s21, s3  }
0x9d: {  	[timem:s7], [sflag:s22] =	dma.local [hbm:s5], s20  }
0x9e: {  	_ =	swait.ge [sflag:s22], s20  }
0x9f: {  	s4 =	ssub.s32 $0x0, s20;
	[sflag:s22] =	ssyncset.done $0x0  }
0xa0: {  	[sflag:s22] =	ssyncadd.s32 s4;
	_ =	sdelay $0x1  }
0xa1: {  	s23 =	simm.s32 $0x1B8B  }
0xa2: {  	_ =	swait.ge [sflag:s23], $0x1  }
0xa3: {  	[sflag:s23] =	ssyncset.done $0x0  }
0xa4: {  	s25 =	simm.s32 $0x1B8E;
	s24 =	sld [smem:$0x3FFE];
	[sflag:s23] =	ssyncadd.s32 $0xFFFFFFFF  }
0xa5: {  	s26 =	simm.s32 $execute0_lowered;
	[smem:$0x3FD2] =	sst s25  }
0xa6: {  	s5 =	sshll.u32 s26, $0x1;
	_ =	strace $0x80000046;
	[dreg:$0x1] =	wrdreg $0xFFFFFFFF  }
0xa7: {  	s28 =	simm.s32 $_size_execute0_lowered;
	s3 =	sadd.s32 s3, s5;
	[dreg:$0x0] =	wrdreg $0x0  }
0xa8: {  	s5 =	sshll.u32 s28, $0x1;
	[dreg:$0x2] =	wrdreg s3  }
0xa9: {  	[dreg:$0x3] =	wrdreg s5  }
0xaa: {  	[dreg:$0x4] =	wrdreg $0xC0  }
0xab: {  	_ =	task [dreg:s7], $0x5FFFF  }
0xac: {  	[dreg:$0x1] =	wrdreg $0xFFFFFFFF  }
0xad: {  	[dreg:$0x0] =	wrdreg $0x60  }
0xae: {  	[dreg:$0x2] =	wrdreg s2  }
0xaf: {  	[dreg:$0x3] =	wrdreg s24  }
0xb0: {  	[dreg:$0x4] =	wrdreg $0x9  }
0xb1: {  	_ =	task.clear_ibuf [dreg:s7], $0x5FFFF;
	_ =	strace $0x90000046  }
0xb2: {  	s29 =	simm.s32 $0x9;
	_ =	strace $0x80000048  }
0xb3: {  	_ =	swait.ge [sflag:s29], $0x1  }
0xb4: {  	[sflag:s29] =	ssyncadd.s32 $0xFFFFFFFF  }
0xb5: {  	_ =	strace $0x90000048  }
0xb6: {  	_ =	sfence  }
0xb7: {  	s30 =	sld [smem:$0x0];
	_ =	sdelay $0x2  }
0xb8: {  	s31 =	sshll.u32 s1, $0xD;
	s1 =	sshrl.u32 s1, $0x2  }
0xb9: {  	s3 =	sand.u32 $0x4000, s31;
	s1 =	sadd.s32 s1, s30  }
0xba: {  	s0 =	sor.u32 s3, s0;
	s1 =	sshll.u32 s1, $0x11  }
0xbb: {  	s0 =	sor.u32 s1, s0  }
0xbc: {  	s0 =	sadd.s32 $0x8F2B, s0  }
0xbd: {  	[sflag:s0] =	ssyncadd.remote.s32 $0x1  }
0xbe: {  	_ =	sfence.sel $0xFFFF  }
0xbf: {  	[dreg:$0x0] =	wrdreg $0xFFFFFFFF;
	(pc) =	sbr.abs _section_cstart, $3  }
0xc0: {  	[dreg:$0x1] =	wrdreg $0xFFFFFFFF  }
0xc1: {  	_ =	task.clear_ibuf [dreg:s7], $0x2FFFF;
	_ =	strace $0x9FFFFFFF  }
0xc2: {  	(tm) =	ssettm $0x7FFFFFFF  }
0xc3: {  	_ =	shalt  }
tec
execute0_lowered:
.L_overlay_start_1:
0x0: {  	(tag) =	ssettag $0x1  }
0x1: {  	s0 =	rddreg [dreg:$0x0]  }
0x2: {  	s1 =	srdreg.scid;
	s11 =	stileid.u32  }
0x3: {  	s4 =	rddreg [dreg:$0x1];
	s2 =	simm.s32 $0x0;
	s12 =	simm.s32 $0xB  }
0x4: {  	s13 =	simm.s32 $0x80;
	s14 =	simm.s32 $0x6400;
	s15 =	simm.s32 $0xA400  }
0x5: {  	s17 =	simm.s32 $0xE400;
	s19 =	simm.s32 $0x12400;
	s21 =	simm.s32 $0x16400  }
0x6: {  	s22 =	simm.s32 $0x1;
	s28 =	simm.s32 $0x6;
	s29 =	simm.s32 $0x7  }
0x7: {  	s30 =	simm.s32 $0x8;
	s1 =	sand.u32 $0x1, s1;
	s3 =	sshll.u32 s11, $0x1  }
0x8: {  	s31 =	simm.s32 $0x9;
	s25 =	smul.u32 $0xC8000, s11;
	s3 =	sor.u32 s1, s3  }
0x9: {  	[smem:$0x7FF] =	sst s2;
	s9 =	sadd.s32 $0xA00, s4;
	s6 =	smul.u32 $0x6400, s3  }
0xa: {  	s5 =	ssub.s32 $0x2, s1;
	_ =	strace $0x80000047;
	s8 =	smul.u32 $0x320000, s3  }
0xb: {  	s1 =	smul.u32 $0x64000, s1;
	s7 =	sshrl.u32 s5, $0x1;
	s3 =	sadd.s32 $0xF42E00, s4  }
0xc: {  	s10 =	ssub.s32 s5, s7;
	s23 =	sshrl.u32 s6, $0x3;
	s24 =	sshrl.u32 s8, $0x3  }
0xd: {  	s10 =	smax.u32 s10, $0x1;
	s0 =	sadd.s32 s0, s23;
	s26 =	sadd.s32 s9, s24  }
0xe: {  	s9 =	sadd.s32 s25, s9;
	s23 =	simm.s32 $0x2;
	s24 =	simm.s32 $0x3  }
0xf: {  	s25 =	simm.s32 $0x4;
	[dreg:$0x3] =	wrdreg s0;
	s5 =	sadd.s32 $0x61800, s26  }
0x10: {  	s6 =	sadd.s32 $0x62000, s26;
	s7 =	sadd.s32 $0x62800, s26;
	s8 =	sadd.s32 $0x63000, s26  }
0x11: {  	s1 =	sadd.s32 s1, s9;
	s9 =	sadd.s32 $0x63800, s26;
	s26 =	simm.s32 $0x5  }
0x12: {  	s0 =	simm.s32 $0x0;
	s11 =	sadd.s32 $0x2000, s1;
	s1 =	simm.s32 $0xA  }
.LBB2_1:
0x13: {  	s4 =	rddreg [dreg:$0x3]  }
0x14: {  	[tilespmem:s2], [sflag:$0xB] =	stream.linear.gather [hbm4b:s4+s2], $0x6400, $0x38;
	[tilespmem:$0x1A400] =	vst v63  }
0x15: {  	_ =	swait.ge [sflag:s12], $0x6400  }
0x16: {  	[sflag:s12] =	ssyncset.done $0x0  }
0x17: {  	[sflag:s12] =	ssyncadd.s32 $0xFFFF9C00  }
0x18: {  	[tilespmem:s14], [sflag:$0x1] =	stream.indirect.gather [hbm4b:s3+s13], $0x80, s2, s13, $0xb8;
	[tilespmem:$0x1A400] =	vst v63  }
0x19: {  	_ = 	snop  }
0x1a: {  	[tilespmem:s15], [sflag:$0x2] =	stream.indirect.gather [hbm4b:s3+s13], $0x80, s13, s13, $0xb8;
	[tilespmem:$0x1A400] =	vst v63  }
0x1b: {  	s20 =	simm.s32 $0x100  }
0x1c: {  	[tilespmem:s17], [sflag:$0x3] =	stream.indirect.gather [hbm4b:s3+s13], $0x80, s20, s13, $0xb8;
	[tilespmem:$0x1A400] =	vst v63  }
0x1d: {  	s16 =	simm.s32 $0x180  }
0x1e: {  	[tilespmem:s19], [sflag:$0x4] =	stream.indirect.gather [hbm4b:s3+s13], $0x80, s16, s13, $0xb8;
	[tilespmem:$0x1A400] =	vst v63  }
0x1f: {  	s18 =	simm.s32 $0x200  }
0x20: {  	[tilespmem:s21], [sflag:$0x5] =	stream.indirect.gather [hbm4b:s3+s13], $0x80, s18, s13, $0xb8;
	[tilespmem:$0x1A400] =	vst v63  }
0x21: {  	_ =	swait.ge [sflag:s22], $0x4000  }
0x22: {  	[sflag:s22] =	ssyncset.done $0x0  }
0x23: {  	s16 =	sadd.s32 $0xFFFFE000, s11;
	[sflag:s22] =	ssyncadd.s32 $0xFFFFC000  }
0x24: {  	[hbm4b:s16+s2] =	stream.linear.scatter [tilespmem:s14], [sflag:$0x6], $0x4000, $0x38;
	[tilespmem:$0x1A400] =	vst v63  }
0x25: {  	_ =	swait.ge [sflag:s23], $0x4000  }
0x26: {  	[sflag:s23] =	ssyncset.done $0x0  }
0x27: {  	s20 =	sadd.s32 $0xFFFFE800, s11;
	[sflag:s23] =	ssyncadd.s32 $0xFFFFC000  }
0x28: {  	[hbm4b:s20+s2] =	stream.linear.scatter [tilespmem:s15], [sflag:$0x7], $0x4000, $0x38;
	[tilespmem:$0x1A400] =	vst v63  }
0x29: {  	_ =	swait.ge [sflag:s24], $0x4000  }
0x2a: {  	[sflag:s24] =	ssyncset.done $0x0  }
0x2b: {  	s4 =	sadd.s32 $0xFFFFF000, s11;
	[sflag:s24] =	ssyncadd.s32 $0xFFFFC000  }
0x2c: {  	[hbm4b:s4+s2] =	stream.linear.scatter [tilespmem:s17], [sflag:$0x8], $0x4000, $0x38;
	[tilespmem:$0x1A400] =	vst v63  }
0x2d: {  	_ =	swait.ge [sflag:s25], $0x4000  }
0x2e: {  	[sflag:s25] =	ssyncset.done $0x0  }
0x2f: {  	s18 =	sadd.s32 $0xFFFFF800, s11;
	[sflag:s25] =	ssyncadd.s32 $0xFFFFC000  }
0x30: {  	[hbm4b:s18+s2] =	stream.linear.scatter [tilespmem:s19], [sflag:$0x9], $0x4000, $0x38;
	[tilespmem:$0x1A400] =	vst v63  }
0x31: {  	_ =	swait.ge [sflag:s26], $0x4000  }
0x32: {  	[sflag:s26] =	ssyncset.done $0x0  }
0x33: {  	[sflag:s26] =	ssyncadd.s32 $0xFFFFC000  }
0x34: {  	[hbm4b:s11+s2] =	stream.linear.scatter [tilespmem:s21], [sflag:$0xA], $0x4000, $0x38;
	[tilespmem:$0x1A400] =	vst v63  }
0x35: {  	_ =	swait.ge [sflag:s28], $0x4000  }
0x36: {  	[sflag:s28] =	ssyncset.done $0x0  }
0x37: {  	s20 =	simm.s32 $0x280;
	[sflag:s28] =	ssyncadd.s32 $0xFFFFC000  }
0x38: {  	[tilespmem:s14], [sflag:$0x1] =	stream.indirect.gather [hbm4b:s3+s13], $0x80, s20, s13, $0xb8;
	[tilespmem:$0x1A400] =	vst v63  }
0x39: {  	_ =	swait.ge [sflag:s29], $0x4000  }
0x3a: {  	[sflag:s29] =	ssyncset.done $0x0  }
0x3b: {  	s4 =	simm.s32 $0x300;
	[sflag:s29] =	ssyncadd.s32 $0xFFFFC000  }
0x3c: {  	[tilespmem:s15], [sflag:$0x2] =	stream.indirect.gather [hbm4b:s3+s13], $0x80, s4, s13, $0xb8;
	[tilespmem:$0x1A400] =	vst v63  }
0x3d: {  	_ =	swait.ge [sflag:s30], $0x4000  }
0x3e: {  	[sflag:s30] =	ssyncset.done $0x0  }
0x3f: {  	s18 =	simm.s32 $0x380;
	[sflag:s30] =	ssyncadd.s32 $0xFFFFC000  }
0x40: {  	[tilespmem:s17], [sflag:$0x3] =	stream.indirect.gather [hbm4b:s3+s13], $0x80, s18, s13, $0xb8;
	[tilespmem:$0x1A400] =	vst v63  }
0x41: {  	_ =	swait.ge [sflag:s31], $0x4000  }
0x42: {  	[sflag:s31] =	ssyncset.done $0x0  }
0x43: {  	s20 =	simm.s32 $0x400;
	[sflag:s31] =	ssyncadd.s32 $0xFFFFC000  }
0x44: {  	[tilespmem:s19], [sflag:$0x4] =	stream.indirect.gather [hbm4b:s3+s13], $0x80, s20, s13, $0xb8;
	[tilespmem:$0x1A400] =	vst v63  }
0x45: {  	_ =	swait.ge [sflag:s1], $0x4000  }
0x46: {  	s16 =	simm.s32 $0xA00;
	[sflag:s1] =	ssyncset.done $0x0  }
0x47: {  	s18 =	sadd.s32 $0x2800, s11;
	s20 =	simm.s32 $0x480;
	[sflag:s1] =	ssyncadd.s32 $0xFFFFC000  }
.LBB2_2:
0x48: {  	[tilespmem:s21], [sflag:$0x5] =	stream.indirect.gather [hbm4b:s3+s13], $0x80, s20, s13, $0xb8;
	[tilespmem:$0x1A400] =	vst v63  }
0x49: {  	s20 =	smov.u32 s16  }
0x4a: {  	p0 =	sne.s32 s16, $0x17C00;
	s16 =	sadd.s32 $0xA00, s16;
	_ =	swait.ge [sflag:s22], $0x4000  }
0x4b: {  	[sflag:s22] =	ssyncset.done $0x0  }
0x4c: {  	s4 =	sadd.s32 $0xFFFFE000, s18;
	[sflag:s22] =	ssyncadd.s32 $0xFFFFC000  }
0x4d: {  	[hbm4b:s4+s2] =	stream.linear.scatter [tilespmem:s14], [sflag:$0x6], $0x4000, $0x38;
	[tilespmem:$0x1A400] =	vst v63  }
0x4e: {  	_ =	swait.ge [sflag:s23], $0x4000  }
0x4f: {  	[sflag:s23] =	ssyncset.done $0x0  }
0x50: {  	s4 =	sadd.s32 $0xFFFFE800, s18;
	[sflag:s23] =	ssyncadd.s32 $0xFFFFC000  }
0x51: {  	[hbm4b:s4+s2] =	stream.linear.scatter [tilespmem:s15], [sflag:$0x7], $0x4000, $0x38;
	[tilespmem:$0x1A400] =	vst v63  }
0x52: {  	_ =	swait.ge [sflag:s24], $0x4000  }
0x53: {  	[sflag:s24] =	ssyncset.done $0x0  }
0x54: {  	s4 =	sadd.s32 $0xFFFFF000, s18;
	[sflag:s24] =	ssyncadd.s32 $0xFFFFC000  }
0x55: {  	[hbm4b:s4+s2] =	stream.linear.scatter [tilespmem:s17], [sflag:$0x8], $0x4000, $0x38;
	[tilespmem:$0x1A400] =	vst v63  }
0x56: {  	_ =	swait.ge [sflag:s25], $0x4000  }
0x57: {  	[sflag:s25] =	ssyncset.done $0x0  }
0x58: {  	s4 =	sadd.s32 $0xFFFFF800, s18;
	[sflag:s25] =	ssyncadd.s32 $0xFFFFC000  }
0x59: {  	[hbm4b:s4+s2] =	stream.linear.scatter [tilespmem:s19], [sflag:$0x9], $0x4000, $0x38;
	[tilespmem:$0x1A400] =	vst v63  }
0x5a: {  	_ =	swait.ge [sflag:s26], $0x4000  }
0x5b: {  	[sflag:s26] =	ssyncset.done $0x0  }
0x5c: {  	[sflag:s26] =	ssyncadd.s32 $0xFFFFC000  }
0x5d: {  	[hbm4b:s18+s2] =	stream.linear.scatter [tilespmem:s21], [sflag:$0xA], $0x4000, $0x38;
	[tilespmem:$0x1A400] =	vst v63  }
0x5e: {  	_ =	swait.ge [sflag:s28], $0x4000  }
0x5f: {  	s4 =	sshra.s32 s20, $0x2;
	[sflag:s28] =	ssyncset.done $0x0  }
0x60: {  	s20 =	sadd.s32 $0x280, s4;
	[sflag:s28] =	ssyncadd.s32 $0xFFFFC000  }
0x61: {  	[tilespmem:s14], [sflag:$0x1] =	stream.indirect.gather [hbm4b:s3+s13], $0x80, s20, s13, $0xb8;
	[tilespmem:$0x1A400] =	vst v63  }
0x62: {  	_ =	swait.ge [sflag:s29], $0x4000  }
0x63: {  	[sflag:s29] =	ssyncset.done $0x0  }
0x64: {  	s20 =	sadd.s32 $0x300, s4;
	[sflag:s29] =	ssyncadd.s32 $0xFFFFC000  }
0x65: {  	[tilespmem:s15], [sflag:$0x2] =	stream.indirect.gather [hbm4b:s3+s13], $0x80, s20, s13, $0xb8;
	[tilespmem:$0x1A400] =	vst v63  }
0x66: {  	_ =	swait.ge [sflag:s30], $0x4000  }
0x67: {  	[sflag:s30] =	ssyncset.done $0x0  }
0x68: {  	s20 =	sadd.s32 $0x380, s4;
	[sflag:s30] =	ssyncadd.s32 $0xFFFFC000  }
0x69: {  	[tilespmem:s17], [sflag:$0x3] =	stream.indirect.gather [hbm4b:s3+s13], $0x80, s20, s13, $0xb8;
	[tilespmem:$0x1A400] =	vst v63  }
0x6a: {  	_ =	swait.ge [sflag:s31], $0x4000  }
0x6b: {  	[sflag:s31] =	ssyncset.done $0x0  }
.Ltmp0:
0x6c: {  	s20 =	sadd.s32 $0x400, s4;
	[sflag:s31] =	ssyncadd.s32 $0xFFFFC000;
	(pc) =	sbr.rel @p0 .LBB2_2-.Ltmp0, $4  }
0x6d: {  	[tilespmem:s19], [sflag:$0x4] =	stream.indirect.gather [hbm4b:s3+s13], $0x80, s20, s13, $0xb8;
	[tilespmem:$0x1A400] =	vst v63  }
0x6e: {  	_ =	swait.ge [sflag:s1], $0x4000  }
0x6f: {  	[sflag:s1] =	ssyncset.done $0x0  }
0x70: {  	s18 =	sadd.s32 $0x2800, s18;
	s20 =	sadd.s32 $0x480, s4;
	[sflag:s1] =	ssyncadd.s32 $0xFFFFC000  }
0x71: {  	[tilespmem:s21], [sflag:$0x5] =	stream.indirect.gather [hbm4b:s3+s13], $0x80, s20, s13, $0xb8;
	[tilespmem:$0x1A400] =	vst v63  }
0x72: {  	_ =	swait.ge [sflag:s22], $0x4000  }
0x73: {  	[sflag:s22] =	ssyncset.done $0x0  }
0x74: {  	[sflag:s22] =	ssyncadd.s32 $0xFFFFC000  }
0x75: {  	[hbm4b:s5+s2] =	stream.linear.scatter [tilespmem:s14], [sflag:$0x6], $0x4000, $0x38;
	[tilespmem:$0x1A400] =	vst v63  }
0x76: {  	_ =	swait.ge [sflag:s23], $0x4000  }
0x77: {  	[sflag:s23] =	ssyncset.done $0x0  }
0x78: {  	[sflag:s23] =	ssyncadd.s32 $0xFFFFC000  }
0x79: {  	[hbm4b:s6+s2] =	stream.linear.scatter [tilespmem:s15], [sflag:$0x7], $0x4000, $0x38;
	[tilespmem:$0x1A400] =	vst v63  }
0x7a: {  	_ =	swait.ge [sflag:s24], $0x4000  }
0x7b: {  	[sflag:s24] =	ssyncset.done $0x0  }
0x7c: {  	[sflag:s24] =	ssyncadd.s32 $0xFFFFC000  }
0x7d: {  	[hbm4b:s7+s2] =	stream.linear.scatter [tilespmem:s17], [sflag:$0x8], $0x4000, $0x38;
	[tilespmem:$0x1A400] =	vst v63  }
0x7e: {  	_ =	swait.ge [sflag:s25], $0x4000  }
0x7f: {  	[sflag:s25] =	ssyncset.done $0x0  }
0x80: {  	[sflag:s25] =	ssyncadd.s32 $0xFFFFC000  }
0x81: {  	[hbm4b:s8+s2] =	stream.linear.scatter [tilespmem:s19], [sflag:$0x9], $0x4000, $0x38;
	[tilespmem:$0x1A400] =	vst v63  }
0x82: {  	_ =	swait.ge [sflag:s26], $0x4000  }
0x83: {  	[sflag:s26] =	ssyncset.done $0x0  }
0x84: {  	[sflag:s26] =	ssyncadd.s32 $0xFFFFC000  }
0x85: {  	[hbm4b:s9+s2] =	stream.linear.scatter [tilespmem:s21], [sflag:$0xA], $0x4000, $0x38;
	[tilespmem:$0x1A400] =	vst v63  }
0x86: {  	_ =	swait.ge [sflag:s28], $0x4000  }
0x87: {  	[sflag:s28] =	ssyncset.done $0x0  }
0x88: {  	[sflag:s28] =	ssyncadd.s32 $0xFFFFC000  }
0x89: {  	_ =	swait.ge [sflag:s29], $0x4000  }
0x8a: {  	[sflag:s29] =	ssyncset.done $0x0  }
0x8b: {  	[sflag:s29] =	ssyncadd.s32 $0xFFFFC000  }
0x8c: {  	_ =	swait.ge [sflag:s30], $0x4000  }
0x8d: {  	[sflag:s30] =	ssyncset.done $0x0  }
0x8e: {  	s0 =	sadd.s32 $0x1, s0;
	[sflag:s30] =	ssyncadd.s32 $0xFFFFC000  }
0x8f: {  	p0 =	sne.s32 s0, s10;
	_ =	swait.ge [sflag:s31], $0x4000  }
.Ltmp1:
0x90: {  	[sflag:s31] =	ssyncset.done $0x0;
	(pc) =	sbr.rel @p0 .LBB2_1-.Ltmp1, $4  }
0x91: {  	[sflag:s31] =	ssyncadd.s32 $0xFFFFC000  }
0x92: {  	_ =	swait.ge [sflag:s1], $0x4000  }
0x93: {  	[sflag:s1] =	ssyncset.done $0x0  }
0x94: {  	[sflag:s1] =	ssyncadd.s32 $0xFFFFC000  }
0x95: {  	_ =	sfence.sel $0x180000  }
0x96: {  	[bflag:$0x0] =	sbarrier.arrive $0xFFFF  }
0x97: {  	_ =	strace $0x90000047  }
0x98: {  	s0 =	stileid.u32;
	[bflag:$0x2] =	sbarrier.arrive $0xFFFF  }
0x99: {  	p0 =	sne.s32 s0, $0x0;
	s0 =	rddreg [dreg:$0x2]  }
0x9a: {  	s0 =	sadd.s32 @!p0 $0x100000, s0  }
0x9b: {  	[sflag:s0] =	ssyncadd.tile.s32 @!p0 $0x1;
	_ =	shalt  }
.Lfunc_end2:
_tile_overlayer_lowered:
.L_overlay_start_2:
0x9c: {  	(tag) =	ssettag $0x2  }
0x9d: {  	s0 =	rddreg [dreg:$0x0];
	s2 =	stileid.u32  }
0x9e: {  	s1 =	rddreg [dreg:$0x1];
	p0 =	sne.s32 s2, $0x0  }
0x9f: {  	s3 =	rddreg [dreg:$0x2];
	[bflag:$0x3] =	sbarrier.arrive $0xFFFF;
	s2 =	simm.s32 @!p0 $0x1C0B  }
0xa0: {  	[timem:s3], [sflag:s2] =	dma.local @!p0 [hbm:s0], s1  }
0xa1: {  	s0 =	simm.s32 @!p0 $0xB  }
0xa2: {  	_ =	swait.ge @!p0 [sflag:s0], s1  }
0xa3: {  	s1 =	ssub.s32 @!p0 $0x0, s1;
	[sflag:s0] =	ssyncset.done @!p0 $0x0  }
0xa4: {  	[sflag:s0] =	ssyncadd.s32 @!p0 s1  }
0xa5: {  	[bflag:$0x3] =	sbarrier.arrive $0xFFFF  }
0xa6: {  	_ =	shalt  }

// kernel: sparse-core-data-format-call.cloned.1.call-start
scs
called_computation_lowered:
.L_overlay_start_0:
0x0: {  	s2 =	sld [smem:$0x3FD9]  }
0x1: {  	s3 =	sld [smem:$0x3FFE];
	_ =	sdelay $0x1  }
0x2: {  	s1 =	srdreg.scid  }
0x3: {  	s0 =	sand.u32 $0x1, s1  }
0x4: {  	s18 =	sshll.u32 s0, $0xA;
	s2 =	sadd.s32 s3, s2  }
0x5: {  	s2 =	sadd.s32 s2, s18  }
0x6: {  	[smem:$0x3FC6] =	sst s2  }
0x7: {  	_ = 	snop  }
0x8: {  	s2 =	sld [smem:$0x3FD0];
	(tm) =	ssettm $0x1  }
0x9: {  	s19 =	sld [smem:$0x3FFB];
	_ =	sdelay $0x3  }
0xa: {  	_ =	strace s19  }
0xb: {  	s3 =	sld [smem:$0x3FFC];
	_ =	sdelay $0x3  }
0xc: {  	_ =	strace s3  }
0xd: {  	s3 =	sld [smem:$0x3FFD];
	_ =	sdelay $0x3  }
0xe: {  	_ =	strace s3  }
0xf: {  	_ =	strace $0x8FFFFFFF  }
0x10: {  	s20 =	sld [smem:$0x3FDB];
	_ =	sdelay $0x1  }
0x11: {  	s4 =	simm.s32 $_scs_section_size  }
0x12: {  	s5 =	simm.s32 $_size__tile_overlayer_lowered;
	s6 =	simm.s32 $_tile_overlayer_lowered  }
0x13: {  	s23 =	simm.s32 $0x1BFF;
	s22 =	sshll.u32 s6, $0x1;
	s3 =	sadd.s32 s4, s20  }
0x14: {  	s7 =	simm.s32 $0x0;
	s21 =	sshll.u32 s5, $0x1;
	s5 =	sadd.s32 s22, s3  }
0x15: {  	[timem:s7], [sflag:s23] =	dma.local [hbm:s5], s21  }
0x16: {  	_ =	swait.ge [sflag:s23], s21  }
0x17: {  	s4 =	ssub.s32 $0x0, s21;
	[sflag:s23] =	ssyncset.done $0x0  }
0x18: {  	[sflag:s23] =	ssyncadd.s32 s4;
	_ =	sdelay $0x1  }
0x19: {  	s24 =	simm.s32 $0x1B8B  }
0x1a: {  	_ =	swait.ge [sflag:s24], $0x1  }
0x1b: {  	[sflag:s24] =	ssyncset.done $0x0  }
0x1c: {  	s26 =	simm.s32 $0x1B8E;
	s25 =	sld [smem:$0x3FFE];
	[sflag:s24] =	ssyncadd.s32 $0xFFFFFFFF  }
0x1d: {  	s27 =	simm.s32 $execute0_lowered;
	[smem:$0x3FD2] =	sst s26  }
0x1e: {  	s5 =	sshll.u32 s27, $0x1;
	_ =	strace $0x80000049;
	[dreg:$0x1] =	wrdreg $0xFFFFFFFF  }
0x1f: {  	s28 =	simm.s32 $_size_execute0_lowered;
	s3 =	sadd.s32 s3, s5;
	[dreg:$0x0] =	wrdreg $0x0  }
0x20: {  	s5 =	sshll.u32 s28, $0x1;
	[dreg:$0x2] =	wrdreg s3  }
0x21: {  	[dreg:$0x3] =	wrdreg s5  }
0x22: {  	[dreg:$0x4] =	wrdreg $0xC0  }
0x23: {  	_ =	task [dreg:s7], $0x5FFFF  }
0x24: {  	[dreg:$0x1] =	wrdreg $0xFFFFFFFF  }
0x25: {  	[dreg:$0x0] =	wrdreg $0x60  }
0x26: {  	[dreg:$0x2] =	wrdreg s25  }
0x27: {  	[dreg:$0x3] =	wrdreg s2  }
0x28: {  	[dreg:$0x4] =	wrdreg $0x9  }
0x29: {  	_ =	task.clear_ibuf [dreg:s7], $0x5FFFF;
	_ =	strace $0x90000049  }
0x2a: {  	s29 =	simm.s32 $0x9;
	_ =	strace $0x8000004B  }
0x2b: {  	_ =	swait.ge [sflag:s29], $0x1  }
0x2c: {  	[sflag:s29] =	ssyncadd.s32 $0xFFFFFFFF  }
0x2d: {  	_ =	strace $0x9000004B  }
0x2e: {  	_ =	sfence  }
0x2f: {  	s30 =	sld [smem:$0x0];
	_ =	sdelay $0x2  }
0x30: {  	s31 =	sshll.u32 s1, $0xD;
	s1 =	sshrl.u32 s1, $0x2  }
0x31: {  	s3 =	sand.u32 $0x4000, s31;
	s1 =	sadd.s32 s1, s30  }
0x32: {  	s0 =	sor.u32 s3, s0;
	s1 =	sshll.u32 s1, $0x11  }
0x33: {  	s0 =	sor.u32 s1, s0  }
0x34: {  	s0 =	sadd.s32 $0x8F2B, s0  }
0x35: {  	[sflag:s0] =	ssyncadd.remote.s32 $0x1  }
0x36: {  	_ =	sfence.sel $0xFFFF  }
0x37: {  	[dreg:$0x0] =	wrdreg $0xFFFFFFFF;
	(pc) =	sbr.abs _section_cstart, $3  }
0x38: {  	[dreg:$0x1] =	wrdreg $0xFFFFFFFF  }
0x39: {  	_ =	task.clear_ibuf [dreg:s7], $0x2FFFF;
	_ =	strace $0x9FFFFFFF  }
0x3a: {  	(tm) =	ssettm $0x7FFFFFFF  }
0x3b: {  	_ =	shalt  }
tec
execute0_lowered:
.L_overlay_start_1:
0x0: {  	(tag) =	ssettag $0x1  }
0x1: {  	s0 =	srdreg.scid  }
0x2: {  	s1 =	sshll.u32 s0, $0x4  }
0x3: {  	s0 =	stileid.u32;
	s1 =	sand.u32 $0x10, s1  }
0x4: {  	s1 =	sor.u32 s0, s1  }
0x5: {  	s6 =	rddreg [dreg:$0x0];
	s4 =	simm.s32 $0x1;
	s2 =	sshll.u32 s1, $0x7  }
0x6: {  	s7 =	simm.s32 $0x2;
	s12 =	simm.s32 $0x0;
	s1 =	ssub.s32 $0x1000, s2  }
0x7: {  	s8 =	simm.s32 $0x8000;
	s13 =	simm.s32 $0x0;
	s3 =	sand.u32 $0xF80, s1  }
0x8: {  	s9 =	simm.s32 $0x0;
	s5 =	sshrl.u32 s1, $0xC;
	p0 =	sne.s32 s3, $0x0  }
.Ltmp0:
0x9: {  	s1 =	rddreg [dreg:$0x2];
	s4 =	simm.s32 @!p0 $0x0;
	(pc) =	sbr.rel .LBB1_1-.Ltmp0, $4  }
0xa: {  	s11 =	simm.s32 $0x0;
	s3 =	rddreg [dreg:$0x1];
	s5 =	sadd.s32 s4, s5  }
0xb: {  	_ =	strace $0x8000004A;
	s4 =	simm.s32 $0x1;
	s5 =	smul.u32 $0xC8, s5  }
0xc: {  	s6 =	sadd.s32 $0xA00, s6;
	s10 =	smov.u32 s2;
	[sflag:s4] =	ssyncpa.u1 $0x0  }
0xd: {  	p0 =	por $0x0, $0x0;
	[sflag:s7] =	ssyncpa.u1 $0x0;
	s7 =	sor.u32 $0x1, s5  }
.LBB1_4:
0xe: {  	s16 =	sshll.u32 s13, $0x3;
	s17 =	sand.u32 $0x78, s13  }
0xf: {  	s30 =	sand.u32 $0x7E00, s13;
	s12 =	sshll.u32 s12, $0xF;
	s16 =	sand.u32 $0xC00, s16  }
0x10: {  	[tilespmem:s15+$0x810 ss:$0x81] =	vst.msk $0xffff, v2;
	s31 =	sand.u32 $0x7, s13;
	s16 =	sor.u32 s17, s16;
	s17 =	sadd.s32 s3, s30  }
0x11: {  	[tilespmem:s15+$0x1020 ss:$0x81] =	vst.msk $0xffff, v0;
	s13 =	sshll.u32 s31, $0x12;
	s12 =	sadd.s32 s12, s17;
	s16 =	sshrl.u32 s16, $0x3  }
0x12: {  	[tilespmem:s15+$0x0 ss:$0x81] =	vst.msk $0xffff, v1;
	s13 =	sor.u32 $0x400, s13;
	s12 =	sadd.s32 s16, s12  }
0x13: {  	[hbm4b:s12+s13] =	stream.strided.scatter [tilespmem:s14], [sflag:$0x2], $0x2000, s8, s13, $0x20;
	[tilespmem:$0x8080] =	vst v63  }
.LBB1_5:
0x14: {  	s14 =	sadd.s32 $0x1, s9  }
0x15: {  	s12 =	sadd.s32 $0x1000, s10;
	s16 =	smov.u32 s10;
	p2 =	sgt.s32 s14, $0xC7  }
0x16: {  	s16 =	smov.u32 @p2 s12  }
0x17: {  	s14 =	simm.s32 @p2 $0x0;
	p2 =	sgt.s32 s16, $0xFFF  }
0x18: {  	s16 =	smov.u32 @p2 s2;
	p2 =	sne.s32 s11, s7  }
.Ltmp1:
0x19: {  	p1 =	slt.u32 s11, $0x2;
	(pc) =	sbr.rel @!p2 .LBB1_6-.Ltmp1, $4  }
0x1a: {  	s15 =	simm.s32 @!p1 $0x2  }
0x1b: {  	s13 =	smov.u32 s10;
	p0 =	por !p0, !p0;
	_ =	swait.ge @!p1 [sflag:s15], $0x2000  }
0x1c: {  	s12 =	smov.u32 s9;
	[sflag:s15] =	ssyncset.done @!p1 $0x0;
	s9 =	smov.u32 s14  }
0x1d: {  	s11 =	sadd.s32 $0x1, s11;
	[sflag:s15] =	ssyncadd.s32 @!p1 $0xFFFFE000;
	s10 =	smov.u32 s16  }
.LBB1_1:
0x1e: {  	p1 =	sge.u32 s11, s5  }
0x1f: {  	s14 =	sand.u32 @!p1 $0x1FFFFFF, s9  }
0x20: {  	s15 =	smulhi.u32 @!p1 $0x147AE15, s14;
	_ =	sdelay $0x1  }
0x21: {  	s15 =	smul.u32 @!p1 $0xC8, s15  }
0x22: {  	s16 =	sxor.u32 @!p1 $0xFFFFFFFF, s11;
	s17 =	smul.u32 @!p1 $0xC80, s10  }
0x23: {  	s31 =	sadd.s32 $0xFFFFFFFF, s11;
	s16 =	sshll.u32 @!p1 s16, $0xD;
	s14 =	ssub.s32 @!p1 s14, s15  }
0x24: {  	s15 =	sand.u32 @!p1 $0x2000, s16;
	s16 =	sadd.s32 @!p1 s6, s17;
	s14 =	sshll.u32 @!p1 s14, $0x4  }
0x25: {  	s17 =	simm.s32 @!p1 $0x6400;
	s14 =	sadd.s32 @!p1 s14, s16;
	s16 =	simm.s32 @!p1 $0x40  }
0x26: {  	[tilespmem:s15], [sflag:$0x1] =	stream.strided.gather @!p1 [hbm4b:s14+s16], $0x2000, s17, s16, $0x38;
	[tilespmem:$0x8080] =	vst v63  }
0x27: {  	p1 =	sge.u32 s31, s5  }
.Ltmp2:
0x28: {  	_ = 	snop;
	(pc) =	sbr.rel @p1 .LBB1_5-.Ltmp2, $1  }
0x29: {  	_ =	sdelay $0x3  }
0x2a: {  	s14 =	simm.s32 $0x1  }
0x2b: {  	_ =	swait.ge [sflag:s4], $0x2000;
	s14 =	simm.s32 @!p0 $0x0  }
0x2c: {  	[sflag:s4] =	ssyncset.done $0x0;
	s15 =	sshll.u32 s14, $0xD  }
0x2d: {  	[sflag:s4] =	ssyncadd.s32 $0xFFFFE000;
	s18 =	sor.u32 $0x20, s15  }
0x2e: {  	s14 =	smul.u32 $0x8100, s14;
	v3 =	vld [tilespmem:s18+$0x10]  }
0x2f: {  	s30 =	sand.u32 $0x1, s11;
	v2 =	vld [tilespmem:s18+$0xFFFFFFF0]  }
0x30: {  	s15 =	smul.u32 $0x8100, s30;
	s14 =	sshrl.u32 s14, $0x2;
	v0 =	vld [tilespmem:s18+$0x0]  }
0x31: {  	v1 =	vld [tilespmem:s18+$0xFFFFFFE0];
	s16 =	sor.u32 $0x4000, s14  }
0x32: {  	s31 =	sshrl.u32 s15, $0x2;
	s15 =	sadd.s32 $0x0, s16  }
0x33: {  	s17 =	simm.s32 $0x4;
	s18 =	sadd.s32 $0x40, s18;
	s14 =	sor.u32 $0x4000, s31;
	[tilespmem:s15+$0x1830 ss:$0x81] =	vst.msk $0xffff, v3  }
.LBB1_3:
0x34: {  	v3 =	vld [tilespmem:s18+$0x10];
	p1 =	sne.s32 s17, $0x1FC;
	[tilespmem:s15+$0x810 ss:$0x81] =	vst.msk $0xffff, v2;
	s19 =	smov.u32 s17;
	s17 =	sadd.s32 $0x4, s17  }
.Ltmp3:
0x35: {  	v2 =	vld [tilespmem:s18+$0xFFFFFFF0];
	[tilespmem:s15+$0x1020 ss:$0x81] =	vst.msk $0xffff, v0;
	(pc) =	sbr.rel @p1 .LBB1_3-.Ltmp3, $4  }
0x36: {  	v0 =	vld [tilespmem:s18+$0x0];
	[tilespmem:s15+$0x0 ss:$0x81] =	vst.msk $0xffff, v1  }
0x37: {  	s15 =	sshra.s32 s19, $0x2;
	v1 =	vld [tilespmem:s18+$0xFFFFFFE0]  }
0x38: {  	s15 =	sadd.s32 s15, s16  }
0x39: {  	s18 =	sadd.s32 $0x40, s18;
	[tilespmem:s15+$0x1830 ss:$0x81] =	vst.msk $0xffff, v3  }
.Ltmp4:
0x3a: {  	_ = 	snop;
	(pc) =	sbr.rel .LBB1_4-.Ltmp4, $1  }
0x3b: {  	_ =	sdelay $0x3  }
.LBB1_6:
0x3c: {  	_ =	sfence.sel $0x180000  }
0x3d: {  	s2 =	simm.s32 $0x1;
	[bflag:$0x0] =	sbarrier.arrive $0xFFFF  }
0x3e: {  	s31 =	simm.s32 $0x2;
	[sflag:s2] =	ssyncpa.u1 $0x1  }
0x3f: {  	[sflag:s31] =	ssyncpa.u1 $0x1  }
0x40: {  	p0 =	sne.s32 s0, $0x0;
	_ =	strace $0x9000004A  }
0x41: {  	s0 =	sadd.s32 @!p0 $0x100000, s1;
	[bflag:$0x2] =	sbarrier.arrive $0xFFFF  }
0x42: {  	[sflag:s0] =	ssyncadd.tile.s32 @!p0 $0x1;
	_ =	shalt  }
.Lfunc_end1:
_tile_overlayer_lowered:
.L_overlay_start_2:
0x43: {  	(tag) =	ssettag $0x2  }
0x44: {  	s0 =	rddreg [dreg:$0x0];
	s2 =	stileid.u32  }
0x45: {  	s1 =	rddreg [dreg:$0x1];
	p0 =	sne.s32 s2, $0x0  }
0x46: {  	s3 =	rddreg [dreg:$0x2];
	[bflag:$0x3] =	sbarrier.arrive $0xFFFF;
	s2 =	simm.s32 @!p0 $0x1C01  }
0x47: {  	[timem:s3], [sflag:s2] =	dma.local @!p0 [hbm:s0], s1  }
0x48: {  	s0 =	simm.s32 @!p0 $0x1  }
0x49: {  	_ =	swait.ge @!p0 [sflag:s0], s1  }
0x4a: {  	s1 =	ssub.s32 @!p0 $0x0, s1;
	[sflag:s0] =	ssyncset.done @!p0 $0x0  }
0x4b: {  	[sflag:s0] =	ssyncadd.s32 @!p0 s1  }
0x4c: {  	[bflag:$0x3] =	sbarrier.arrive $0xFFFF  }
0x4d: {  	_ =	shalt  }

</sc_bundles>
